<compile_context>
chip_gen: v7x
topology: tpu7x:2x2x1
jax: 0.10.2.dev20260603
libtpu: 0.0.44.dev20260713+nightly
codegen_flags: <defaults>
</compile_context>

<pallas_src>
import functools

import jax
import jax.numpy as jnp
from jax import lax
from jax.experimental import pallas as pl
from jax.experimental.pallas import tpu as pltpu
from jax.experimental.pallas import tpu_sc as plsc

_N_USERS = 1000000
_N_ITEMS = 100000
_N_GENRES = 26
_K = 16
_B = 16384

_NPIECES = 8
_KPP = _K // _NPIECES
_VEC = 16


_HB = _B // 2


def _sc_gather_p(p_pieces, user_ids):
    mesh = plsc.VectorSubcoreMesh(core_axis_name="c", subcore_axis_name="s")

    @functools.partial(
        pl.kernel,
        mesh=mesh,
        out_type=jax.ShapeDtypeStruct((_K, _B), jnp.float32),
        scratch_types=[
            pltpu.VMEM((_HB,), jnp.int32),
            pltpu.VMEM((_HB,), jnp.int32),
            pltpu.VMEM((_HB,), jnp.float32),
            pltpu.SemaphoreType.DMA,
        ],
    )
    def gather_kernel(*refs):
        p_refs = refs[:_NPIECES]
        ui_hbm, pu_hbm, ids_v, idx_v, row_v, sem = refs[_NPIECES:]
        wid = lax.axis_index("s") * 2 + lax.axis_index("c")
        k = wid // 2
        half = lax.rem(wid, 2)
        base = half * _HB
        off_vec = jax.lax.broadcast(lax.rem(k, _KPP) * _N_USERS, (_VEC,))

        pltpu.sync_copy(ui_hbm.at[pl.ds(base, _HB)], ids_v)

        @pl.loop(0, _HB, step=_VEC)
        def _(j):
            idx_v[pl.ds(j, _VEC)] = ids_v[pl.ds(j, _VEC)] + off_vec

        for pc in range(_NPIECES):
            @pl.when(k // _KPP == pc)
            def _():
                pltpu.async_copy(p_refs[pc].at[idx_v], row_v, sem).wait()
        pltpu.sync_copy(row_v, pu_hbm.at[k, pl.ds(base, _HB)])

    return gather_kernel(*p_pieces, user_ids)


def _sc_gather_q(q_flat, item_ids):
    mesh = plsc.VectorSubcoreMesh(core_axis_name="c", subcore_axis_name="s")

    @functools.partial(
        pl.kernel,
        mesh=mesh,
        out_type=jax.ShapeDtypeStruct((_K, _B), jnp.float32),
        scratch_types=[
            pltpu.VMEM((_HB,), jnp.int32),
            pltpu.VMEM((_HB,), jnp.int32),
            pltpu.VMEM((_HB,), jnp.float32),
            pltpu.SemaphoreType.DMA,
        ],
    )
    def gather_kernel(q_hbm, ii_hbm, qi_hbm, ids_v, idx_v, row_v, sem):
        wid = lax.axis_index("s") * 2 + lax.axis_index("c")
        k = wid // 2
        half = lax.rem(wid, 2)
        base = half * _HB
        off_vec = jax.lax.broadcast(k * (_N_ITEMS + _N_GENRES), (_VEC,))

        pltpu.sync_copy(ii_hbm.at[pl.ds(base, _HB)], ids_v)

        @pl.loop(0, _HB, step=_VEC)
        def _(j):
            idx_v[pl.ds(j, _VEC)] = ids_v[pl.ds(j, _VEC)] + off_vec

        pltpu.async_copy(q_hbm.at[idx_v], row_v, sem).wait()
        pltpu.sync_copy(row_v, qi_hbm.at[k, pl.ds(base, _HB)])

    return gather_kernel(q_flat, item_ids)


def _combine_body(put_ref, qit_ref, g_ref, wg_ref, o_ref):
    qgt = lax.dot_general(
        wg_ref[...], g_ref[...],
        dimension_numbers=(((1,), (1,)), ((), ())),
        preferred_element_type=jnp.float32,
    )
    o_ref[...] = jnp.sum(put_ref[...] * (qit_ref[...] + qgt), axis=0)


def _tc_combine(put, qit, genres, wg):
    blk = 2048
    grid = (_B // blk,)
    return pl.pallas_call(
        _combine_body,
        out_shape=jax.ShapeDtypeStruct((_B,), jnp.float32),
        grid=grid,
        in_specs=[
            pl.BlockSpec((_K, blk), lambda i: (0, i)),
            pl.BlockSpec((_K, blk), lambda i: (0, i)),
            pl.BlockSpec((blk, _N_GENRES), lambda i: (i, 0)),
            pl.BlockSpec((_K, _N_GENRES), lambda i: (0, 0)),
        ],
        out_specs=pl.BlockSpec((blk,), lambda i: (i,)),
    )(put, qit, genres, wg)


def kernel(user_ids, item_ids, genres_one_hot, P_w, Q_w):
    p_pieces = [P_w[pc * _KPP:(pc + 1) * _KPP].reshape(-1)
                for pc in range(_NPIECES)]
    q_flat = Q_w.reshape(-1)
    wg = Q_w[:, _N_ITEMS:]

    qit = _sc_gather_q(q_flat, item_ids.astype(jnp.int32))
    put = _sc_gather_p(p_pieces, user_ids.astype(jnp.int32))
    return _tc_combine(put, qit, genres_one_hot, wg).reshape(_B, 1)

# --- scband reference (transcript-rebuilt; emitter-appended) ---
"""Pipeline reference for scband-gmf-70866960384287 (READ-ONLY COPY).

The authoritative reference and input builder live on the scoring server;
editing this copy changes nothing except your own understanding.
"""

import jax, jax.numpy as jnp
import numpy as np

N_USERS = 1000000
N_ITEMS = 100000
N_GENRES = 26
K = 16
B = 16384


def setup_inputs(seed: int = 0) -> dict:
    key = jax.random.key(seed)
    k1, k2, k3, k4, k5 = jax.random.split(key, 5)
    user_ids = jax.random.randint(k1, (B,), 0, N_USERS)
    item_ids = jax.random.randint(k2, (B,), 0, N_ITEMS)
    genres_one_hot = jax.random.uniform(k3, (B, N_GENRES), dtype=jnp.float32)
    P_w = jax.random.normal(k4, (K, N_USERS), dtype=jnp.float32) * 0.01
    Q_w = jax.random.normal(k5, (K, N_ITEMS + N_GENRES), dtype=jnp.float32) * 0.01
    return {
        "user_ids": user_ids,
        "item_ids": item_ids,
        "genres_one_hot": genres_one_hot,
        "P_w": P_w,
        "Q_w": Q_w,
    }


def reference(user_ids, item_ids, genres_one_hot, P_w, Q_w):
    # pu = one_hot(user) @ P.weight.T  ==  gather column user_id of P.weight
    pu = jnp.take(P_w, user_ids, axis=1).T                      # [B, K]
    # qi = [one_hot(item) | genres] @ Q.weight.T
    q_item = jnp.take(Q_w[:, :N_ITEMS], item_ids, axis=1).T     # [B, K]
    q_genre = genres_one_hot @ Q_w[:, N_ITEMS:].T               # [B, K]
    qi = q_item + q_genre
    X = jnp.sum(pu * qi, axis=1, keepdims=True)                 # [B, 1]
    return X

if __name__ == "__main__":
    import jax
    _d = setup_inputs()
    print(jax.jit(kernel)(*tuple(_d.values())))

</pallas_src>

<mosaic_0001>
#map = affine_map<(d0, d1) -> (0)>
#map1 = affine_map<(d0, d1) -> (0, 0)>
module attributes {stable_mosaic.version = 14 : i64} {
  func.func @gather_kernel(%arg0: i32, %arg1: i32, %arg2: memref<2000000xf32, #tpu.memory_space<hbm>>, %arg3: memref<2000000xf32, #tpu.memory_space<hbm>>, %arg4: memref<2000000xf32, #tpu.memory_space<hbm>>, %arg5: memref<2000000xf32, #tpu.memory_space<hbm>>, %arg6: memref<2000000xf32, #tpu.memory_space<hbm>>, %arg7: memref<2000000xf32, #tpu.memory_space<hbm>>, %arg8: memref<2000000xf32, #tpu.memory_space<hbm>>, %arg9: memref<2000000xf32, #tpu.memory_space<hbm>>, %arg10: memref<16384xi32, #tpu.memory_space<hbm>>, %arg11: memref<16x16384xf32, #tpu.memory_space<hbm>>, %arg12: memref<8192xi32, #tpu.memory_space<vmem>>, %arg13: memref<8192xi32, #tpu.memory_space<vmem>>, %arg14: memref<8192xf32, #tpu.memory_space<vmem>>, %arg15: memref<!tpu.dma_semaphore, #tpu.memory_space<semaphore_mem>>) attributes {dimension_semantics = [#tpu.dimension_semantics<core_parallel>, #tpu.dimension_semantics<subcore_parallel>], iteration_bounds = array<i64: 2, 16>, scalar_prefetch = 0 : i64, scratch_operands = 4 : i64, tpu.core_type = #tpu.core_type<sc_vector_subcore>, window_params = [{transform_indices = #map}, {transform_indices = #map}, {transform_indices = #map}, {transform_indices = #map}, {transform_indices = #map}, {transform_indices = #map}, {transform_indices = #map}, {transform_indices = #map}, {transform_indices = #map}, {transform_indices = #map1}]} {
    %mul3A = arith.constant 2 : i32
    %mul3A_0 = arith.muli %arg1, %mul3A : i32
    %add3A = arith.addi %mul3A_0, %arg0 : i32
    %jit3A = arith.constant 2 : i32
    %div3A = arith.divsi %add3A, %jit3A : i32
    %sign3A = arith.constant 0 : i32
    %sign3A_1 = arith.cmpi sgt, %add3A, %sign3A : i32
    %sign3A_2 = arith.extui %sign3A_1 : i1 to i32
    %sign3A_3 = arith.constant 0 : i32
    %sign3A_4 = arith.cmpi slt, %add3A, %sign3A_3 : i32
    %sign3A_5 = arith.extui %sign3A_4 : i1 to i32
    %sign3A_6 = arith.subi %sign3A_2, %sign3A_5 : i32
    %sign3A_7 = arith.constant 0 : i32
    %sign3A_8 = arith.cmpi sgt, %jit3A, %sign3A_7 : i32
    %sign3A_9 = arith.extui %sign3A_8 : i1 to i32
    %sign3A_10 = arith.constant 0 : i32
    %sign3A_11 = arith.cmpi slt, %jit3A, %sign3A_10 : i32
    %sign3A_12 = arith.extui %sign3A_11 : i1 to i32
    %sign3A_13 = arith.subi %sign3A_9, %sign3A_12 : i32
    %ne3A = arith.cmpi ne, %sign3A_6, %sign3A_13 : i32
    %rem3A = arith.remsi %add3A, %jit3A : i32
    %ne3A_14 = arith.constant 0 : i32
    %ne3A_15 = arith.cmpi ne, %rem3A, %ne3A_14 : i32
    %and3A = arith.andi %ne3A, %ne3A_15 : i1
    %sub3A = arith.constant 1 : i32
    %sub3A_16 = arith.subi %div3A, %sub3A : i32
    %select_n3A = arith.select %and3A, %sub3A_16, %div3A : i32
    %rem3A_17 = arith.constant 2 : i32
    %rem3A_18 = arith.remsi %add3A, %rem3A_17 : i32
    %mul3A_19 = arith.constant 8192 : i32
    %mul3A_20 = arith.muli %rem3A_18, %mul3A_19 : i32
    %rem3A_21 = arith.constant 2 : i32
    %rem3A_22 = arith.remsi %select_n3A, %rem3A_21 : i32
    %mul3A_23 = arith.constant 1000000 : i32
    %mul3A_24 = arith.muli %rem3A_22, %mul3A_23 : i32
    %broadcast_in_dim3A = vector.broadcast %mul3A_24 : i32 to vector<16xi32>
    "tpu.region"() ({
      %run_scoped3A = tpu.sem_alloc : memref<!tpu.dma_semaphore, #tpu.memory_space<semaphore_mem>>
      %dma_start3A = tpu.memref_slice %arg10[%mul3A_20] : memref<16384xi32, #tpu.memory_space<hbm>> -> memref<8192xi32, #tpu.memory_space<hbm>>
      %dma_start3A_258 = tpu.memref_slice %arg10[%mul3A_20] : memref<16384xi32, #tpu.memory_space<hbm>> -> memref<8192xi32, #tpu.memory_space<hbm>>
      tpu.enqueue_dma source(%dma_start3A_258 : memref<8192xi32, #tpu.memory_space<hbm>>) target(%arg12 : memref<8192xi32, #tpu.memory_space<vmem>>) target_semaphore(%run_scoped3A : memref<!tpu.dma_semaphore, #tpu.memory_space<semaphore_mem>>)
      %dma_wait3A = tpu.memref_slice %arg10[%mul3A_20] : memref<16384xi32, #tpu.memory_space<hbm>> -> memref<8192xi32, #tpu.memory_space<hbm>>
      %dma_wait3A_259 = tpu.memref_slice %arg10[%mul3A_20] : memref<16384xi32, #tpu.memory_space<hbm>> -> memref<8192xi32, #tpu.memory_space<hbm>>
      tpu.wait_dma2 semaphore(%run_scoped3A : memref<!tpu.dma_semaphore, #tpu.memory_space<semaphore_mem>>) src(%dma_wait3A_259 : memref<8192xi32, #tpu.memory_space<hbm>>) dst(%arg12 : memref<8192xi32, #tpu.memory_space<vmem>>)
      tpu.yield
    }) : () -> ()
    %scan3A = arith.constant 0 : i32
    %scan3A_25 = arith.constant 512 : i32
    %scan3A_26 = arith.addi %scan3A, %scan3A_25 : i32
    %scan3A_27 = arith.constant 1 : i32
    scf.for %scan3A_258 = %scan3A to %scan3A_26 step %scan3A_27  : i32 {
      %mul3A_259 = arith.constant 16 : i32
      %mul3A_260 = arith.muli %scan3A_258, %mul3A_259 : i32
      %add3A_261 = arith.constant 0 : i32
      %add3A_262 = arith.addi %add3A_261, %mul3A_260 : i32
      %get3A = arith.index_cast %add3A_262 : i32 to index
      %get3A_263 = tpu.vector_load %arg12[%get3A] {strides = array<i32>} : memref<8192xi32, #tpu.memory_space<vmem>>, vector<16xi32>,
      %get3A_264 = vector.shape_cast %get3A_263 : vector<16xi32> to vector<16xi32>
      %add3A_265 = arith.addi %get3A_264, %broadcast_in_dim3A : vector<16xi32>
      %swap3A = arith.index_cast %add3A_262 : i32 to index
      %swap3A_266 = tpu.vector_load %arg13[%swap3A] {strides = array<i32>} : memref<8192xi32, #tpu.memory_space<vmem>>, vector<16xi32>,
      %swap3A_267 = vector.shape_cast %swap3A_266 : vector<16xi32> to vector<16xi32>
      %swap3A_268 = vector.shape_cast %add3A_265 : vector<16xi32> to vector<16xi32>
      tpu.vector_store %arg13[%swap3A], %swap3A_268 {strides = array<i32>} : memref<8192xi32, #tpu.memory_space<vmem>>, vector<16xi32>,
    }
    %scan3A_28 = arith.constant 512 : i32
    %jit3A_29 = arith.constant 2 : i32
    %div3A_30 = arith.divsi %select_n3A, %jit3A_29 : i32
    %sign3A_31 = arith.constant 0 : i32
    %sign3A_32 = arith.cmpi sgt, %select_n3A, %sign3A_31 : i32
    %sign3A_33 = arith.extui %sign3A_32 : i1 to i32
    %sign3A_34 = arith.constant 0 : i32
    %sign3A_35 = arith.cmpi slt, %select_n3A, %sign3A_34 : i32
    %sign3A_36 = arith.extui %sign3A_35 : i1 to i32
    %sign3A_37 = arith.subi %sign3A_33, %sign3A_36 : i32
    %sign3A_38 = arith.constant 0 : i32
    %sign3A_39 = arith.cmpi sgt, %jit3A_29, %sign3A_38 : i32
    %sign3A_40 = arith.extui %sign3A_39 : i1 to i32
    %sign3A_41 = arith.constant 0 : i32
    %sign3A_42 = arith.cmpi slt, %jit3A_29, %sign3A_41 : i32
    %sign3A_43 = arith.extui %sign3A_42 : i1 to i32
    %sign3A_44 = arith.subi %sign3A_40, %sign3A_43 : i32
    %ne3A_45 = arith.cmpi ne, %sign3A_37, %sign3A_44 : i32
    %rem3A_46 = arith.remsi %select_n3A, %jit3A_29 : i32
    %ne3A_47 = arith.constant 0 : i32
    %ne3A_48 = arith.cmpi ne, %rem3A_46, %ne3A_47 : i32
    %and3A_49 = arith.andi %ne3A_45, %ne3A_48 : i1
    %sub3A_50 = arith.constant 1 : i32
    %sub3A_51 = arith.subi %div3A_30, %sub3A_50 : i32
    %select_n3A_52 = arith.select %and3A_49, %sub3A_51, %div3A_30 : i32
    %eq3A = arith.constant 0 : i32
    %eq3A_53 = arith.cmpi eq, %select_n3A_52, %eq3A : i32
    %convert_element_type3A = arith.extui %eq3A_53 : i1 to i32
    %cond3A = arith.constant 0 : i32
    %cond3A_54 = arith.cmpi ne, %convert_element_type3A, %cond3A : i32
    scf.if %cond3A_54 {
      %dma_start3A = arith.constant 0 : i32
      %dma_start3A_258 = tpu.memref_slice %arg2[%dma_start3A] : memref<2000000xf32, #tpu.memory_space<hbm>> -> memref<2000000xf32, #tpu.memory_space<hbm>>
      tpu.enqueue_indirect_dma source(%dma_start3A_258 : memref<2000000xf32, #tpu.memory_space<hbm>>) target(%arg14 : memref<8192xf32, #tpu.memory_space<vmem>>) offsets(%arg13 : memref<8192xi32, #tpu.memory_space<vmem>>) semaphore(%arg15 : memref<!tpu.dma_semaphore, #tpu.memory_space<semaphore_mem>>)
      %dma_wait3A = arith.constant 0 : i32
      %dma_wait3A_259 = tpu.memref_slice %arg2[%dma_wait3A] : memref<2000000xf32, #tpu.memory_space<hbm>> -> memref<2000000xf32, #tpu.memory_space<hbm>>
      tpu.wait_indirect_dma semaphore(%arg15 : memref<!tpu.dma_semaphore, #tpu.memory_space<semaphore_mem>>) src(%dma_wait3A_259 : memref<2000000xf32, #tpu.memory_space<hbm>>) dst(%arg14 : memref<8192xf32, #tpu.memory_space<vmem>>)
    } else {
    }
    %jit3A_55 = arith.constant 2 : i32
    %div3A_56 = arith.divsi %select_n3A, %jit3A_55 : i32
    %sign3A_57 = arith.constant 0 : i32
    %sign3A_58 = arith.cmpi sgt, %select_n3A, %sign3A_57 : i32
    %sign3A_59 = arith.extui %sign3A_58 : i1 to i32
    %sign3A_60 = arith.constant 0 : i32
    %sign3A_61 = arith.cmpi slt, %select_n3A, %sign3A_60 : i32
    %sign3A_62 = arith.extui %sign3A_61 : i1 to i32
    %sign3A_63 = arith.subi %sign3A_59, %sign3A_62 : i32
    %sign3A_64 = arith.constant 0 : i32
    %sign3A_65 = arith.cmpi sgt, %jit3A_55, %sign3A_64 : i32
    %sign3A_66 = arith.extui %sign3A_65 : i1 to i32
    %sign3A_67 = arith.constant 0 : i32
    %sign3A_68 = arith.cmpi slt, %jit3A_55, %sign3A_67 : i32
    %sign3A_69 = arith.extui %sign3A_68 : i1 to i32
    %sign3A_70 = arith.subi %sign3A_66, %sign3A_69 : i32
    %ne3A_71 = arith.cmpi ne, %sign3A_63, %sign3A_70 : i32
    %rem3A_72 = arith.remsi %select_n3A, %jit3A_55 : i32
    %ne3A_73 = arith.constant 0 : i32
    %ne3A_74 = arith.cmpi ne, %rem3A_72, %ne3A_73 : i32
    %and3A_75 = arith.andi %ne3A_71, %ne3A_74 : i1
    %sub3A_76 = arith.constant 1 : i32
    %sub3A_77 = arith.subi %div3A_56, %sub3A_76 : i32
    %select_n3A_78 = arith.select %and3A_75, %sub3A_77, %div3A_56 : i32
    %eq3A_79 = arith.constant 1 : i32
    %eq3A_80 = arith.cmpi eq, %select_n3A_78, %eq3A_79 : i32
    %convert_element_type3A_81 = arith.extui %eq3A_80 : i1 to i32
    %cond3A_82 = arith.constant 0 : i32
    %cond3A_83 = arith.cmpi ne, %convert_element_type3A_81, %cond3A_82 : i32
    scf.if %cond3A_83 {
      %dma_start3A = arith.constant 0 : i32
      %dma_start3A_258 = tpu.memref_slice %arg3[%dma_start3A] : memref<2000000xf32, #tpu.memory_space<hbm>> -> memref<2000000xf32, #tpu.memory_space<hbm>>
      tpu.enqueue_indirect_dma source(%dma_start3A_258 : memref<2000000xf32, #tpu.memory_space<hbm>>) target(%arg14 : memref<8192xf32, #tpu.memory_space<vmem>>) offsets(%arg13 : memref<8192xi32, #tpu.memory_space<vmem>>) semaphore(%arg15 : memref<!tpu.dma_semaphore, #tpu.memory_space<semaphore_mem>>)
      %dma_wait3A = arith.constant 0 : i32
      %dma_wait3A_259 = tpu.memref_slice %arg3[%dma_wait3A] : memref<2000000xf32, #tpu.memory_space<hbm>> -> memref<2000000xf32, #tpu.memory_space<hbm>>
      tpu.wait_indirect_dma semaphore(%arg15 : memref<!tpu.dma_semaphore, #tpu.memory_space<semaphore_mem>>) src(%dma_wait3A_259 : memref<2000000xf32, #tpu.memory_space<hbm>>) dst(%arg14 : memref<8192xf32, #tpu.memory_space<vmem>>)
    } else {
    }
    %jit3A_84 = arith.constant 2 : i32
    %div3A_85 = arith.divsi %select_n3A, %jit3A_84 : i32
    %sign3A_86 = arith.constant 0 : i32
    %sign3A_87 = arith.cmpi sgt, %select_n3A, %sign3A_86 : i32
    %sign3A_88 = arith.extui %sign3A_87 : i1 to i32
    %sign3A_89 = arith.constant 0 : i32
    %sign3A_90 = arith.cmpi slt, %select_n3A, %sign3A_89 : i32
    %sign3A_91 = arith.extui %sign3A_90 : i1 to i32
    %sign3A_92 = arith.subi %sign3A_88, %sign3A_91 : i32
    %sign3A_93 = arith.constant 0 : i32
    %sign3A_94 = arith.cmpi sgt, %jit3A_84, %sign3A_93 : i32
    %sign3A_95 = arith.extui %sign3A_94 : i1 to i32
    %sign3A_96 = arith.constant 0 : i32
    %sign3A_97 = arith.cmpi slt, %jit3A_84, %sign3A_96 : i32
    %sign3A_98 = arith.extui %sign3A_97 : i1 to i32
    %sign3A_99 = arith.subi %sign3A_95, %sign3A_98 : i32
    %ne3A_100 = arith.cmpi ne, %sign3A_92, %sign3A_99 : i32
    %rem3A_101 = arith.remsi %select_n3A, %jit3A_84 : i32
    %ne3A_102 = arith.constant 0 : i32
    %ne3A_103 = arith.cmpi ne, %rem3A_101, %ne3A_102 : i32
    %and3A_104 = arith.andi %ne3A_100, %ne3A_103 : i1
    %sub3A_105 = arith.constant 1 : i32
    %sub3A_106 = arith.subi %div3A_85, %sub3A_105 : i32
    %select_n3A_107 = arith.select %and3A_104, %sub3A_106, %div3A_85 : i32
    %eq3A_108 = arith.constant 2 : i32
    %eq3A_109 = arith.cmpi eq, %select_n3A_107, %eq3A_108 : i32
    %convert_element_type3A_110 = arith.extui %eq3A_109 : i1 to i32
    %cond3A_111 = arith.constant 0 : i32
    %cond3A_112 = arith.cmpi ne, %convert_element_type3A_110, %cond3A_111 : i32
    scf.if %cond3A_112 {
      %dma_start3A = arith.constant 0 : i32
      %dma_start3A_258 = tpu.memref_slice %arg4[%dma_start3A] : memref<2000000xf32, #tpu.memory_space<hbm>> -> memref<2000000xf32, #tpu.memory_space<hbm>>
      tpu.enqueue_indirect_dma source(%dma_start3A_258 : memref<2000000xf32, #tpu.memory_space<hbm>>) target(%arg14 : memref<8192xf32, #tpu.memory_space<vmem>>) offsets(%arg13 : memref<8192xi32, #tpu.memory_space<vmem>>) semaphore(%arg15 : memref<!tpu.dma_semaphore, #tpu.memory_space<semaphore_mem>>)
      %dma_wait3A = arith.constant 0 : i32
      %dma_wait3A_259 = tpu.memref_slice %arg4[%dma_wait3A] : memref<2000000xf32, #tpu.memory_space<hbm>> -> memref<2000000xf32, #tpu.memory_space<hbm>>
      tpu.wait_indirect_dma semaphore(%arg15 : memref<!tpu.dma_semaphore, #tpu.memory_space<semaphore_mem>>) src(%dma_wait3A_259 : memref<2000000xf32, #tpu.memory_space<hbm>>) dst(%arg14 : memref<8192xf32, #tpu.memory_space<vmem>>)
    } else {
    }
    %jit3A_113 = arith.constant 2 : i32
    %div3A_114 = arith.divsi %select_n3A, %jit3A_113 : i32
    %sign3A_115 = arith.constant 0 : i32
    %sign3A_116 = arith.cmpi sgt, %select_n3A, %sign3A_115 : i32
    %sign3A_117 = arith.extui %sign3A_116 : i1 to i32
    %sign3A_118 = arith.constant 0 : i32
    %sign3A_119 = arith.cmpi slt, %select_n3A, %sign3A_118 : i32
    %sign3A_120 = arith.extui %sign3A_119 : i1 to i32
    %sign3A_121 = arith.subi %sign3A_117, %sign3A_120 : i32
    %sign3A_122 = arith.constant 0 : i32
    %sign3A_123 = arith.cmpi sgt, %jit3A_113, %sign3A_122 : i32
    %sign3A_124 = arith.extui %sign3A_123 : i1 to i32
    %sign3A_125 = arith.constant 0 : i32
    %sign3A_126 = arith.cmpi slt, %jit3A_113, %sign3A_125 : i32
    %sign3A_127 = arith.extui %sign3A_126 : i1 to i32
    %sign3A_128 = arith.subi %sign3A_124, %sign3A_127 : i32
    %ne3A_129 = arith.cmpi ne, %sign3A_121, %sign3A_128 : i32
    %rem3A_130 = arith.remsi %select_n3A, %jit3A_113 : i32
    %ne3A_131 = arith.constant 0 : i32
    %ne3A_132 = arith.cmpi ne, %rem3A_130, %ne3A_131 : i32
    %and3A_133 = arith.andi %ne3A_129, %ne3A_132 : i1
    %sub3A_134 = arith.constant 1 : i32
    %sub3A_135 = arith.subi %div3A_114, %sub3A_134 : i32
    %select_n3A_136 = arith.select %and3A_133, %sub3A_135, %div3A_114 : i32
    %eq3A_137 = arith.constant 3 : i32
    %eq3A_138 = arith.cmpi eq, %select_n3A_136, %eq3A_137 : i32
    %convert_element_type3A_139 = arith.extui %eq3A_138 : i1 to i32
    %cond3A_140 = arith.constant 0 : i32
    %cond3A_141 = arith.cmpi ne, %convert_element_type3A_139, %cond3A_140 : i32
    scf.if %cond3A_141 {
      %dma_start3A = arith.constant 0 : i32
      %dma_start3A_258 = tpu.memref_slice %arg5[%dma_start3A] : memref<2000000xf32, #tpu.memory_space<hbm>> -> memref<2000000xf32, #tpu.memory_space<hbm>>
      tpu.enqueue_indirect_dma source(%dma_start3A_258 : memref<2000000xf32, #tpu.memory_space<hbm>>) target(%arg14 : memref<8192xf32, #tpu.memory_space<vmem>>) offsets(%arg13 : memref<8192xi32, #tpu.memory_space<vmem>>) semaphore(%arg15 : memref<!tpu.dma_semaphore, #tpu.memory_space<semaphore_mem>>)
      %dma_wait3A = arith.constant 0 : i32
      %dma_wait3A_259 = tpu.memref_slice %arg5[%dma_wait3A] : memref<2000000xf32, #tpu.memory_space<hbm>> -> memref<2000000xf32, #tpu.memory_space<hbm>>
      tpu.wait_indirect_dma semaphore(%arg15 : memref<!tpu.dma_semaphore, #tpu.memory_space<semaphore_mem>>) src(%dma_wait3A_259 : memref<2000000xf32, #tpu.memory_space<hbm>>) dst(%arg14 : memref<8192xf32, #tpu.memory_space<vmem>>)
    } else {
    }
    %jit3A_142 = arith.constant 2 : i32
    %div3A_143 = arith.divsi %select_n3A, %jit3A_142 : i32
    %sign3A_144 = arith.constant 0 : i32
    %sign3A_145 = arith.cmpi sgt, %select_n3A, %sign3A_144 : i32
    %sign3A_146 = arith.extui %sign3A_145 : i1 to i32
    %sign3A_147 = arith.constant 0 : i32
    %sign3A_148 = arith.cmpi slt, %select_n3A, %sign3A_147 : i32
    %sign3A_149 = arith.extui %sign3A_148 : i1 to i32
    %sign3A_150 = arith.subi %sign3A_146, %sign3A_149 : i32
    %sign3A_151 = arith.constant 0 : i32
    %sign3A_152 = arith.cmpi sgt, %jit3A_142, %sign3A_151 : i32
    %sign3A_153 = arith.extui %sign3A_152 : i1 to i32
    %sign3A_154 = arith.constant 0 : i32
    %sign3A_155 = arith.cmpi slt, %jit3A_142, %sign3A_154 : i32
    %sign3A_156 = arith.extui %sign3A_155 : i1 to i32
    %sign3A_157 = arith.subi %sign3A_153, %sign3A_156 : i32
    %ne3A_158 = arith.cmpi ne, %sign3A_150, %sign3A_157 : i32
    %rem3A_159 = arith.remsi %select_n3A, %jit3A_142 : i32
    %ne3A_160 = arith.constant 0 : i32
    %ne3A_161 = arith.cmpi ne, %rem3A_159, %ne3A_160 : i32
    %and3A_162 = arith.andi %ne3A_158, %ne3A_161 : i1
    %sub3A_163 = arith.constant 1 : i32
    %sub3A_164 = arith.subi %div3A_143, %sub3A_163 : i32
    %select_n3A_165 = arith.select %and3A_162, %sub3A_164, %div3A_143 : i32
    %eq3A_166 = arith.constant 4 : i32
    %eq3A_167 = arith.cmpi eq, %select_n3A_165, %eq3A_166 : i32
    %convert_element_type3A_168 = arith.extui %eq3A_167 : i1 to i32
    %cond3A_169 = arith.constant 0 : i32
    %cond3A_170 = arith.cmpi ne, %convert_element_type3A_168, %cond3A_169 : i32
    scf.if %cond3A_170 {
      %dma_start3A = arith.constant 0 : i32
      %dma_start3A_258 = tpu.memref_slice %arg6[%dma_start3A] : memref<2000000xf32, #tpu.memory_space<hbm>> -> memref<2000000xf32, #tpu.memory_space<hbm>>
      tpu.enqueue_indirect_dma source(%dma_start3A_258 : memref<2000000xf32, #tpu.memory_space<hbm>>) target(%arg14 : memref<8192xf32, #tpu.memory_space<vmem>>) offsets(%arg13 : memref<8192xi32, #tpu.memory_space<vmem>>) semaphore(%arg15 : memref<!tpu.dma_semaphore, #tpu.memory_space<semaphore_mem>>)
      %dma_wait3A = arith.constant 0 : i32
      %dma_wait3A_259 = tpu.memref_slice %arg6[%dma_wait3A] : memref<2000000xf32, #tpu.memory_space<hbm>> -> memref<2000000xf32, #tpu.memory_space<hbm>>
      tpu.wait_indirect_dma semaphore(%arg15 : memref<!tpu.dma_semaphore, #tpu.memory_space<semaphore_mem>>) src(%dma_wait3A_259 : memref<2000000xf32, #tpu.memory_space<hbm>>) dst(%arg14 : memref<8192xf32, #tpu.memory_space<vmem>>)
    } else {
    }
    %jit3A_171 = arith.constant 2 : i32
    %div3A_172 = arith.divsi %select_n3A, %jit3A_171 : i32
    %sign3A_173 = arith.constant 0 : i32
    %sign3A_174 = arith.cmpi sgt, %select_n3A, %sign3A_173 : i32
    %sign3A_175 = arith.extui %sign3A_174 : i1 to i32
    %sign3A_176 = arith.constant 0 : i32
    %sign3A_177 = arith.cmpi slt, %select_n3A, %sign3A_176 : i32
    %sign3A_178 = arith.extui %sign3A_177 : i1 to i32
    %sign3A_179 = arith.subi %sign3A_175, %sign3A_178 : i32
    %sign3A_180 = arith.constant 0 : i32
    %sign3A_181 = arith.cmpi sgt, %jit3A_171, %sign3A_180 : i32
    %sign3A_182 = arith.extui %sign3A_181 : i1 to i32
    %sign3A_183 = arith.constant 0 : i32
    %sign3A_184 = arith.cmpi slt, %jit3A_171, %sign3A_183 : i32
    %sign3A_185 = arith.extui %sign3A_184 : i1 to i32
    %sign3A_186 = arith.subi %sign3A_182, %sign3A_185 : i32
    %ne3A_187 = arith.cmpi ne, %sign3A_179, %sign3A_186 : i32
    %rem3A_188 = arith.remsi %select_n3A, %jit3A_171 : i32
    %ne3A_189 = arith.constant 0 : i32
    %ne3A_190 = arith.cmpi ne, %rem3A_188, %ne3A_189 : i32
    %and3A_191 = arith.andi %ne3A_187, %ne3A_190 : i1
    %sub3A_192 = arith.constant 1 : i32
    %sub3A_193 = arith.subi %div3A_172, %sub3A_192 : i32
    %select_n3A_194 = arith.select %and3A_191, %sub3A_193, %div3A_172 : i32
    %eq3A_195 = arith.constant 5 : i32
    %eq3A_196 = arith.cmpi eq, %select_n3A_194, %eq3A_195 : i32
    %convert_element_type3A_197 = arith.extui %eq3A_196 : i1 to i32
    %cond3A_198 = arith.constant 0 : i32
    %cond3A_199 = arith.cmpi ne, %convert_element_type3A_197, %cond3A_198 : i32
    scf.if %cond3A_199 {
      %dma_start3A = arith.constant 0 : i32
      %dma_start3A_258 = tpu.memref_slice %arg7[%dma_start3A] : memref<2000000xf32, #tpu.memory_space<hbm>> -> memref<2000000xf32, #tpu.memory_space<hbm>>
      tpu.enqueue_indirect_dma source(%dma_start3A_258 : memref<2000000xf32, #tpu.memory_space<hbm>>) target(%arg14 : memref<8192xf32, #tpu.memory_space<vmem>>) offsets(%arg13 : memref<8192xi32, #tpu.memory_space<vmem>>) semaphore(%arg15 : memref<!tpu.dma_semaphore, #tpu.memory_space<semaphore_mem>>)
      %dma_wait3A = arith.constant 0 : i32
      %dma_wait3A_259 = tpu.memref_slice %arg7[%dma_wait3A] : memref<2000000xf32, #tpu.memory_space<hbm>> -> memref<2000000xf32, #tpu.memory_space<hbm>>
      tpu.wait_indirect_dma semaphore(%arg15 : memref<!tpu.dma_semaphore, #tpu.memory_space<semaphore_mem>>) src(%dma_wait3A_259 : memref<2000000xf32, #tpu.memory_space<hbm>>) dst(%arg14 : memref<8192xf32, #tpu.memory_space<vmem>>)
    } else {
    }
    %jit3A_200 = arith.constant 2 : i32
    %div3A_201 = arith.divsi %select_n3A, %jit3A_200 : i32
    %sign3A_202 = arith.constant 0 : i32
    %sign3A_203 = arith.cmpi sgt, %select_n3A, %sign3A_202 : i32
    %sign3A_204 = arith.extui %sign3A_203 : i1 to i32
    %sign3A_205 = arith.constant 0 : i32
    %sign3A_206 = arith.cmpi slt, %select_n3A, %sign3A_205 : i32
    %sign3A_207 = arith.extui %sign3A_206 : i1 to i32
    %sign3A_208 = arith.subi %sign3A_204, %sign3A_207 : i32
    %sign3A_209 = arith.constant 0 : i32
    %sign3A_210 = arith.cmpi sgt, %jit3A_200, %sign3A_209 : i32
    %sign3A_211 = arith.extui %sign3A_210 : i1 to i32
    %sign3A_212 = arith.constant 0 : i32
    %sign3A_213 = arith.cmpi slt, %jit3A_200, %sign3A_212 : i32
    %sign3A_214 = arith.extui %sign3A_213 : i1 to i32
    %sign3A_215 = arith.subi %sign3A_211, %sign3A_214 : i32
    %ne3A_216 = arith.cmpi ne, %sign3A_208, %sign3A_215 : i32
    %rem3A_217 = arith.remsi %select_n3A, %jit3A_200 : i32
    %ne3A_218 = arith.constant 0 : i32
    %ne3A_219 = arith.cmpi ne, %rem3A_217, %ne3A_218 : i32
    %and3A_220 = arith.andi %ne3A_216, %ne3A_219 : i1
    %sub3A_221 = arith.constant 1 : i32
    %sub3A_222 = arith.subi %div3A_201, %sub3A_221 : i32
    %select_n3A_223 = arith.select %and3A_220, %sub3A_222, %div3A_201 : i32
    %eq3A_224 = arith.constant 6 : i32
    %eq3A_225 = arith.cmpi eq, %select_n3A_223, %eq3A_224 : i32
    %convert_element_type3A_226 = arith.extui %eq3A_225 : i1 to i32
    %cond3A_227 = arith.constant 0 : i32
    %cond3A_228 = arith.cmpi ne, %convert_element_type3A_226, %cond3A_227 : i32
    scf.if %cond3A_228 {
      %dma_start3A = arith.constant 0 : i32
      %dma_start3A_258 = tpu.memref_slice %arg8[%dma_start3A] : memref<2000000xf32, #tpu.memory_space<hbm>> -> memref<2000000xf32, #tpu.memory_space<hbm>>
      tpu.enqueue_indirect_dma source(%dma_start3A_258 : memref<2000000xf32, #tpu.memory_space<hbm>>) target(%arg14 : memref<8192xf32, #tpu.memory_space<vmem>>) offsets(%arg13 : memref<8192xi32, #tpu.memory_space<vmem>>) semaphore(%arg15 : memref<!tpu.dma_semaphore, #tpu.memory_space<semaphore_mem>>)
      %dma_wait3A = arith.constant 0 : i32
      %dma_wait3A_259 = tpu.memref_slice %arg8[%dma_wait3A] : memref<2000000xf32, #tpu.memory_space<hbm>> -> memref<2000000xf32, #tpu.memory_space<hbm>>
      tpu.wait_indirect_dma semaphore(%arg15 : memref<!tpu.dma_semaphore, #tpu.memory_space<semaphore_mem>>) src(%dma_wait3A_259 : memref<2000000xf32, #tpu.memory_space<hbm>>) dst(%arg14 : memref<8192xf32, #tpu.memory_space<vmem>>)
    } else {
    }
    %jit3A_229 = arith.constant 2 : i32
    %div3A_230 = arith.divsi %select_n3A, %jit3A_229 : i32
    %sign3A_231 = arith.constant 0 : i32
    %sign3A_232 = arith.cmpi sgt, %select_n3A, %sign3A_231 : i32
    %sign3A_233 = arith.extui %sign3A_232 : i1 to i32
    %sign3A_234 = arith.constant 0 : i32
    %sign3A_235 = arith.cmpi slt, %select_n3A, %sign3A_234 : i32
    %sign3A_236 = arith.extui %sign3A_235 : i1 to i32
    %sign3A_237 = arith.subi %sign3A_233, %sign3A_236 : i32
    %sign3A_238 = arith.constant 0 : i32
    %sign3A_239 = arith.cmpi sgt, %jit3A_229, %sign3A_238 : i32
    %sign3A_240 = arith.extui %sign3A_239 : i1 to i32
    %sign3A_241 = arith.constant 0 : i32
    %sign3A_242 = arith.cmpi slt, %jit3A_229, %sign3A_241 : i32
    %sign3A_243 = arith.extui %sign3A_242 : i1 to i32
    %sign3A_244 = arith.subi %sign3A_240, %sign3A_243 : i32
    %ne3A_245 = arith.cmpi ne, %sign3A_237, %sign3A_244 : i32
    %rem3A_246 = arith.remsi %select_n3A, %jit3A_229 : i32
    %ne3A_247 = arith.constant 0 : i32
    %ne3A_248 = arith.cmpi ne, %rem3A_246, %ne3A_247 : i32
    %and3A_249 = arith.andi %ne3A_245, %ne3A_248 : i1
    %sub3A_250 = arith.constant 1 : i32
    %sub3A_251 = arith.subi %div3A_230, %sub3A_250 : i32
    %select_n3A_252 = arith.select %and3A_249, %sub3A_251, %div3A_230 : i32
    %eq3A_253 = arith.constant 7 : i32
    %eq3A_254 = arith.cmpi eq, %select_n3A_252, %eq3A_253 : i32
    %convert_element_type3A_255 = arith.extui %eq3A_254 : i1 to i32
    %cond3A_256 = arith.constant 0 : i32
    %cond3A_257 = arith.cmpi ne, %convert_element_type3A_255, %cond3A_256 : i32
    scf.if %cond3A_257 {
      %dma_start3A = arith.constant 0 : i32
      %dma_start3A_258 = tpu.memref_slice %arg9[%dma_start3A] : memref<2000000xf32, #tpu.memory_space<hbm>> -> memref<2000000xf32, #tpu.memory_space<hbm>>
      tpu.enqueue_indirect_dma source(%dma_start3A_258 : memref<2000000xf32, #tpu.memory_space<hbm>>) target(%arg14 : memref<8192xf32, #tpu.memory_space<vmem>>) offsets(%arg13 : memref<8192xi32, #tpu.memory_space<vmem>>) semaphore(%arg15 : memref<!tpu.dma_semaphore, #tpu.memory_space<semaphore_mem>>)
      %dma_wait3A = arith.constant 0 : i32
      %dma_wait3A_259 = tpu.memref_slice %arg9[%dma_wait3A] : memref<2000000xf32, #tpu.memory_space<hbm>> -> memref<2000000xf32, #tpu.memory_space<hbm>>
      tpu.wait_indirect_dma semaphore(%arg15 : memref<!tpu.dma_semaphore, #tpu.memory_space<semaphore_mem>>) src(%dma_wait3A_259 : memref<2000000xf32, #tpu.memory_space<hbm>>) dst(%arg14 : memref<8192xf32, #tpu.memory_space<vmem>>)
    } else {
    }
    "tpu.region"() ({
      %run_scoped3A = tpu.sem_alloc : memref<!tpu.dma_semaphore, #tpu.memory_space<semaphore_mem>>
      %dma_start3A = tpu.memref_slice %arg11[%select_n3A, %mul3A_20] : memref<16x16384xf32, #tpu.memory_space<hbm>> -> memref<1x8192xf32, #tpu.memory_space<hbm>>
      %dma_start3A_258 = tpu.memref_squeeze %dma_start3A : memref<1x8192xf32, #tpu.memory_space<hbm>> -> memref<8192xf32, #tpu.memory_space<hbm>>
      %dma_start3A_259 = tpu.memref_slice %arg11[%select_n3A, %mul3A_20] : memref<16x16384xf32, #tpu.memory_space<hbm>> -> memref<1x8192xf32, #tpu.memory_space<hbm>>
      %dma_start3A_260 = tpu.memref_squeeze %dma_start3A_259 : memref<1x8192xf32, #tpu.memory_space<hbm>> -> memref<8192xf32, #tpu.memory_space<hbm>>
      tpu.enqueue_dma source(%arg14 : memref<8192xf32, #tpu.memory_space<vmem>>) target(%dma_start3A_260 : memref<8192xf32, #tpu.memory_space<hbm>>) target_semaphore(%run_scoped3A : memref<!tpu.dma_semaphore, #tpu.memory_space<semaphore_mem>>)
      %dma_wait3A = tpu.memref_slice %arg11[%select_n3A, %mul3A_20] : memref<16x16384xf32, #tpu.memory_space<hbm>> -> memref<1x8192xf32, #tpu.memory_space<hbm>>
      %dma_wait3A_261 = tpu.memref_squeeze %dma_wait3A : memref<1x8192xf32, #tpu.memory_space<hbm>> -> memref<8192xf32, #tpu.memory_space<hbm>>
      %dma_wait3A_262 = tpu.memref_slice %arg11[%select_n3A, %mul3A_20] : memref<16x16384xf32, #tpu.memory_space<hbm>> -> memref<1x8192xf32, #tpu.memory_space<hbm>>
      %dma_wait3A_263 = tpu.memref_squeeze %dma_wait3A_262 : memref<1x8192xf32, #tpu.memory_space<hbm>> -> memref<8192xf32, #tpu.memory_space<hbm>>
      tpu.wait_dma2 semaphore(%run_scoped3A : memref<!tpu.dma_semaphore, #tpu.memory_space<semaphore_mem>>) src(%arg14 : memref<8192xf32, #tpu.memory_space<vmem>>) dst(%dma_wait3A_263 : memref<8192xf32, #tpu.memory_space<hbm>>)
      tpu.yield
    }) : () -> ()
    return
  }
}

#map = affine_map<(d0, d1) -> (0)>
#map1 = affine_map<(d0, d1) -> (0, 0)>
module attributes {stable_mosaic.version = 14 : i64} {
  func.func @gather_kernel(%arg0: i32, %arg1: i32, %arg2: memref<1600416xf32, #tpu.memory_space<hbm>>, %arg3: memref<16384xi32, #tpu.memory_space<hbm>>, %arg4: memref<16x16384xf32, #tpu.memory_space<hbm>>, %arg5: memref<8192xi32, #tpu.memory_space<vmem>>, %arg6: memref<8192xi32, #tpu.memory_space<vmem>>, %arg7: memref<8192xf32, #tpu.memory_space<vmem>>, %arg8: memref<!tpu.dma_semaphore, #tpu.memory_space<semaphore_mem>>) attributes {dimension_semantics = [#tpu.dimension_semantics<core_parallel>, #tpu.dimension_semantics<subcore_parallel>], iteration_bounds = array<i64: 2, 16>, scalar_prefetch = 0 : i64, scratch_operands = 4 : i64, tpu.core_type = #tpu.core_type<sc_vector_subcore>, window_params = [{transform_indices = #map}, {transform_indices = #map}, {transform_indices = #map1}]} {
    %mul3A = arith.constant 2 : i32
    %mul3A_0 = arith.muli %arg1, %mul3A : i32
    %add3A = arith.addi %mul3A_0, %arg0 : i32
    %jit3A = arith.constant 2 : i32
    %div3A = arith.divsi %add3A, %jit3A : i32
    %sign3A = arith.constant 0 : i32
    %sign3A_1 = arith.cmpi sgt, %add3A, %sign3A : i32
    %sign3A_2 = arith.extui %sign3A_1 : i1 to i32
    %sign3A_3 = arith.constant 0 : i32
    %sign3A_4 = arith.cmpi slt, %add3A, %sign3A_3 : i32
    %sign3A_5 = arith.extui %sign3A_4 : i1 to i32
    %sign3A_6 = arith.subi %sign3A_2, %sign3A_5 : i32
    %sign3A_7 = arith.constant 0 : i32
    %sign3A_8 = arith.cmpi sgt, %jit3A, %sign3A_7 : i32
    %sign3A_9 = arith.extui %sign3A_8 : i1 to i32
    %sign3A_10 = arith.constant 0 : i32
    %sign3A_11 = arith.cmpi slt, %jit3A, %sign3A_10 : i32
    %sign3A_12 = arith.extui %sign3A_11 : i1 to i32
    %sign3A_13 = arith.subi %sign3A_9, %sign3A_12 : i32
    %ne3A = arith.cmpi ne, %sign3A_6, %sign3A_13 : i32
    %rem3A = arith.remsi %add3A, %jit3A : i32
    %ne3A_14 = arith.constant 0 : i32
    %ne3A_15 = arith.cmpi ne, %rem3A, %ne3A_14 : i32
    %and3A = arith.andi %ne3A, %ne3A_15 : i1
    %sub3A = arith.constant 1 : i32
    %sub3A_16 = arith.subi %div3A, %sub3A : i32
    %select_n3A = arith.select %and3A, %sub3A_16, %div3A : i32
    %rem3A_17 = arith.constant 2 : i32
    %rem3A_18 = arith.remsi %add3A, %rem3A_17 : i32
    %mul3A_19 = arith.constant 8192 : i32
    %mul3A_20 = arith.muli %rem3A_18, %mul3A_19 : i32
    %mul3A_21 = arith.constant 100026 : i32
    %mul3A_22 = arith.muli %select_n3A, %mul3A_21 : i32
    %broadcast_in_dim3A = vector.broadcast %mul3A_22 : i32 to vector<16xi32>
    "tpu.region"() ({
      %run_scoped3A = tpu.sem_alloc : memref<!tpu.dma_semaphore, #tpu.memory_space<semaphore_mem>>
      %dma_start3A_29 = tpu.memref_slice %arg3[%mul3A_20] : memref<16384xi32, #tpu.memory_space<hbm>> -> memref<8192xi32, #tpu.memory_space<hbm>>
      %dma_start3A_30 = tpu.memref_slice %arg3[%mul3A_20] : memref<16384xi32, #tpu.memory_space<hbm>> -> memref<8192xi32, #tpu.memory_space<hbm>>
      tpu.enqueue_dma source(%dma_start3A_30 : memref<8192xi32, #tpu.memory_space<hbm>>) target(%arg5 : memref<8192xi32, #tpu.memory_space<vmem>>) target_semaphore(%run_scoped3A : memref<!tpu.dma_semaphore, #tpu.memory_space<semaphore_mem>>)
      %dma_wait3A_31 = tpu.memref_slice %arg3[%mul3A_20] : memref<16384xi32, #tpu.memory_space<hbm>> -> memref<8192xi32, #tpu.memory_space<hbm>>
      %dma_wait3A_32 = tpu.memref_slice %arg3[%mul3A_20] : memref<16384xi32, #tpu.memory_space<hbm>> -> memref<8192xi32, #tpu.memory_space<hbm>>
      tpu.wait_dma2 semaphore(%run_scoped3A : memref<!tpu.dma_semaphore, #tpu.memory_space<semaphore_mem>>) src(%dma_wait3A_32 : memref<8192xi32, #tpu.memory_space<hbm>>) dst(%arg5 : memref<8192xi32, #tpu.memory_space<vmem>>)
      tpu.yield
    }) : () -> ()
    %scan3A = arith.constant 0 : i32
    %scan3A_23 = arith.constant 512 : i32
    %scan3A_24 = arith.addi %scan3A, %scan3A_23 : i32
    %scan3A_25 = arith.constant 1 : i32
    scf.for %scan3A_29 = %scan3A to %scan3A_24 step %scan3A_25  : i32 {
      %mul3A_30 = arith.constant 16 : i32
      %mul3A_31 = arith.muli %scan3A_29, %mul3A_30 : i32
      %add3A_32 = arith.constant 0 : i32
      %add3A_33 = arith.addi %add3A_32, %mul3A_31 : i32
      %get3A = arith.index_cast %add3A_33 : i32 to index
      %get3A_34 = tpu.vector_load %arg5[%get3A] {strides = array<i32>} : memref<8192xi32, #tpu.memory_space<vmem>>, vector<16xi32>,
      %get3A_35 = vector.shape_cast %get3A_34 : vector<16xi32> to vector<16xi32>
      %add3A_36 = arith.addi %get3A_35, %broadcast_in_dim3A : vector<16xi32>
      %swap3A = arith.index_cast %add3A_33 : i32 to index
      %swap3A_37 = tpu.vector_load %arg6[%swap3A] {strides = array<i32>} : memref<8192xi32, #tpu.memory_space<vmem>>, vector<16xi32>,
      %swap3A_38 = vector.shape_cast %swap3A_37 : vector<16xi32> to vector<16xi32>
      %swap3A_39 = vector.shape_cast %add3A_36 : vector<16xi32> to vector<16xi32>
      tpu.vector_store %arg6[%swap3A], %swap3A_39 {strides = array<i32>} : memref<8192xi32, #tpu.memory_space<vmem>>, vector<16xi32>,
    }
    %scan3A_26 = arith.constant 512 : i32
    %dma_start3A = arith.constant 0 : i32
    %dma_start3A_27 = tpu.memref_slice %arg2[%dma_start3A] : memref<1600416xf32, #tpu.memory_space<hbm>> -> memref<1600416xf32, #tpu.memory_space<hbm>>
    tpu.enqueue_indirect_dma source(%dma_start3A_27 : memref<1600416xf32, #tpu.memory_space<hbm>>) target(%arg7 : memref<8192xf32, #tpu.memory_space<vmem>>) offsets(%arg6 : memref<8192xi32, #tpu.memory_space<vmem>>) semaphore(%arg8 : memref<!tpu.dma_semaphore, #tpu.memory_space<semaphore_mem>>)
    %dma_wait3A = arith.constant 0 : i32
    %dma_wait3A_28 = tpu.memref_slice %arg2[%dma_wait3A] : memref<1600416xf32, #tpu.memory_space<hbm>> -> memref<1600416xf32, #tpu.memory_space<hbm>>
    tpu.wait_indirect_dma semaphore(%arg8 : memref<!tpu.dma_semaphore, #tpu.memory_space<semaphore_mem>>) src(%dma_wait3A_28 : memref<1600416xf32, #tpu.memory_space<hbm>>) dst(%arg7 : memref<8192xf32, #tpu.memory_space<vmem>>)
    "tpu.region"() ({
      %run_scoped3A = tpu.sem_alloc : memref<!tpu.dma_semaphore, #tpu.memory_space<semaphore_mem>>
      %dma_start3A_29 = tpu.memref_slice %arg4[%select_n3A, %mul3A_20] : memref<16x16384xf32, #tpu.memory_space<hbm>> -> memref<1x8192xf32, #tpu.memory_space<hbm>>
      %dma_start3A_30 = tpu.memref_squeeze %dma_start3A_29 : memref<1x8192xf32, #tpu.memory_space<hbm>> -> memref<8192xf32, #tpu.memory_space<hbm>>
      %dma_start3A_31 = tpu.memref_slice %arg4[%select_n3A, %mul3A_20] : memref<16x16384xf32, #tpu.memory_space<hbm>> -> memref<1x8192xf32, #tpu.memory_space<hbm>>
      %dma_start3A_32 = tpu.memref_squeeze %dma_start3A_31 : memref<1x8192xf32, #tpu.memory_space<hbm>> -> memref<8192xf32, #tpu.memory_space<hbm>>
      tpu.enqueue_dma source(%arg7 : memref<8192xf32, #tpu.memory_space<vmem>>) target(%dma_start3A_32 : memref<8192xf32, #tpu.memory_space<hbm>>) target_semaphore(%run_scoped3A : memref<!tpu.dma_semaphore, #tpu.memory_space<semaphore_mem>>)
      %dma_wait3A_33 = tpu.memref_slice %arg4[%select_n3A, %mul3A_20] : memref<16x16384xf32, #tpu.memory_space<hbm>> -> memref<1x8192xf32, #tpu.memory_space<hbm>>
      %dma_wait3A_34 = tpu.memref_squeeze %dma_wait3A_33 : memref<1x8192xf32, #tpu.memory_space<hbm>> -> memref<8192xf32, #tpu.memory_space<hbm>>
      %dma_wait3A_35 = tpu.memref_slice %arg4[%select_n3A, %mul3A_20] : memref<16x16384xf32, #tpu.memory_space<hbm>> -> memref<1x8192xf32, #tpu.memory_space<hbm>>
      %dma_wait3A_36 = tpu.memref_squeeze %dma_wait3A_35 : memref<1x8192xf32, #tpu.memory_space<hbm>> -> memref<8192xf32, #tpu.memory_space<hbm>>
      tpu.wait_dma2 semaphore(%run_scoped3A : memref<!tpu.dma_semaphore, #tpu.memory_space<semaphore_mem>>) src(%arg7 : memref<8192xf32, #tpu.memory_space<vmem>>) dst(%dma_wait3A_36 : memref<8192xf32, #tpu.memory_space<hbm>>)
      tpu.yield
    }) : () -> ()
    return
  }
}

module attributes {stable_mosaic.version = 14 : i64} {
  func.func @_combine_body(%arg0: i32, %arg1: memref<16x2048xf32, #tpu.memory_space<vmem>>, %arg2: memref<16x2048xf32, #tpu.memory_space<vmem>>, %arg3: memref<2048x26xf32, #tpu.memory_space<vmem>>, %arg4: memref<16x26xf32, #tpu.memory_space<vmem>>, %arg5: memref<2048xf32, #tpu.memory_space<vmem>>) attributes {dimension_semantics = [#tpu.dimension_semantics<arbitrary>], iteration_bounds = array<i64: 8>, scalar_prefetch = 0 : i64, scratch_operands = 0 : i64, tpu.core_type = #tpu.core_type<tc>, window_params = [{transform_indices = @transform_0, window_bounds = array<i64: 16, 2048>}, {transform_indices = @transform_1, window_bounds = array<i64: 16, 2048>}, {transform_indices = @transform_2, window_bounds = array<i64: 2048, 26>}, {pipeline_mode = #tpu.pipeline_mode<synchronous>, transform_indices = @transform_3, window_bounds = array<i64: 16, 26>}, {transform_indices = @transform_4, window_bounds = array<i64: 2048>}]} {
    %get3A = arith.constant 0 : index
    %get3A_0 = arith.constant 0 : index
    %get3A_1 = vector.load %arg4[%get3A, %get3A_0] : memref<16x26xf32, #tpu.memory_space<vmem>>, vector<16x26xf32>
    %get3A_2 = arith.constant 0 : index
    %get3A_3 = arith.constant 0 : index
    %get3A_4 = vector.load %arg3[%get3A_2, %get3A_3] : memref<2048x26xf32, #tpu.memory_space<vmem>>, vector<2048x26xf32>
    %dot_general3A = arith.constant dense<0.000000e+00> : vector<16x2048xf32>
    %dot_general3A_5 = tpu.matmul %get3A_1, %get3A_4, %dot_general3A {dimension_numbers = #tpu.dot_dimension_numbers<[1], [1], [0], [0], [0, 0, 1, 0], [], []>, transpose_lhs_hint = false} : vector<16x26xf32>, vector<2048x26xf32>, vector<16x2048xf32> -> vector<16x2048xf32>
    %get3A_6 = arith.constant 0 : index
    %get3A_7 = arith.constant 0 : index
    %get3A_8 = vector.load %arg1[%get3A_6, %get3A_7] : memref<16x2048xf32, #tpu.memory_space<vmem>>, vector<16x2048xf32>
    %get3A_9 = arith.constant 0 : index
    %get3A_10 = arith.constant 0 : index
    %get3A_11 = vector.load %arg2[%get3A_9, %get3A_10] : memref<16x2048xf32, #tpu.memory_space<vmem>>, vector<16x2048xf32>
    %add3A = arith.addf %get3A_11, %dot_general3A_5 : vector<16x2048xf32>
    %mul3A = arith.mulf %get3A_8, %add3A : vector<16x2048xf32>
    %reduce_sum3A = arith.constant dense<0.000000e+00> : vector<2048xf32>
    %reduce_sum3A_12 = vector.multi_reduction <add>, %mul3A, %reduce_sum3A [0] : vector<16x2048xf32> to vector<2048xf32>
    %swap3A = arith.constant 0 : index
    %swap3A_13 = vector.load %arg5[%swap3A] : memref<2048xf32, #tpu.memory_space<vmem>>, vector<2048xf32>
    tpu.vector_store %arg5[%swap3A], %reduce_sum3A_12 {strides = array<i32>} : memref<2048xf32, #tpu.memory_space<vmem>>, vector<2048xf32>,
    return
  }
  func.func @transform_0(%arg0: i32) -> (i32, i32) {
    %c0_i32 = arith.constant 0 : i32
    %c0_i32_0 = arith.constant 0 : i32
    return %c0_i32, %arg0 : i32, i32
  }
  func.func @transform_1(%arg0: i32) -> (i32, i32) {
    %c0_i32 = arith.constant 0 : i32
    %c0_i32_0 = arith.constant 0 : i32
    return %c0_i32, %arg0 : i32, i32
  }
  func.func @transform_2(%arg0: i32) -> (i32, i32) {
    %c0_i32 = arith.constant 0 : i32
    %c0_i32_0 = arith.constant 0 : i32
    return %arg0, %c0_i32 : i32, i32
  }
  func.func @transform_3(%arg0: i32) -> (i32, i32) {
    %c0_i32 = arith.constant 0 : i32
    %c0_i32_0 = arith.constant 0 : i32
    %c0_i32_1 = arith.constant 0 : i32
    return %c0_i32, %c0_i32_0 : i32, i32
  }
  func.func @transform_4(%arg0: i32) -> i32 {
    %c0_i32 = arith.constant 0 : i32
    return %arg0 : i32
  }
}

</mosaic_0001>

<sc_bundles>
// kernel: kernel.5.cloned.1.call-start
scs
__scs_entry_jumppad:
0x0: {  	(pc) =	sbr.rel $0x88, $3  }
0x1: {  	(tag) =	ssettag $0x0;
	lr =	simm.s32 $0x1  }
0x2: {  	[smem:$0x3F9C] =	sst lr;
	_ =	strace $0xD0000000  }
0x3: {  	_ = 	snop  }
0x4: {  	_ = 	snop  }
0x5: {  	_ = 	snop  }
0x6: {  	_ = 	snop  }
0x7: {  	_ = 	snop  }
__scs_overlays_trampoline_lowered:
0x8: {  	[smem:$0x3FAB] =	sst s0  }
0x9: {  	[smem:$0x3FAC] =	sst s1  }
0xa: {  	[smem:$0x3FAD] =	sst s2  }
0xb: {  	[smem:$0x3FAE] =	sst s3  }
0xc: {  	[smem:$0x3FAF] =	sst s4  }
0xd: {  	[smem:$0x3FB0] =	sst s5  }
0xe: {  	[smem:$0x3FB1] =	sst s6  }
0xf: {  	[smem:$0x3FB2] =	sst s7  }
0x10: {  	[smem:$0x3FB3] =	sst s8  }
0x11: {  	[smem:$0x3FB4] =	sst s9;
	s0 =	simm.s32 @!p0 $0x0  }
0x12: {  	s1 =	sld [smem:$0x3F9A];
	s0 =	simm.s32 @p0 $0x1  }
0x13: {  	[smem:$0x3FB5] =	sst s0;
	s0 =	simm.s32 @!p1 $0x0  }
0x14: {  	s2 =	sld [smem:$0x3F99];
	s0 =	simm.s32 @p1 $0x1  }
0x15: {  	[smem:$0x3FB6] =	sst s0;
	s0 =	simm.s32 @!p2 $0x0  }
0x16: {  	s3 =	sld [smem:$0x3FDB];
	s0 =	simm.s32 @p2 $0x1  }
0x17: {  	s4 =	simm.s32 $0x1BF5;
	[smem:$0x3FB8] =	sst s0  }
0x18: {  	s0 =	sld [smem:$0x3F9B];
	_ =	swait.ge [sflag:s4], $0x0  }
0x19: {  	s7 =	sld [smem:$0x3F9C]  }
0x1a: {  	s8 =	sadd.s32 $0xFFFFE003, lr  }
0x1b: {  	s9 =	sadd.s32 $0xFFFFFEF7, lr;
	s5 =	simm.s32 $0xFFFFFFFF;
	p2 =	slt.u32 s8, $0xFFFFF086  }
0x1c: {  	p1 =	slt.u32 s9, $0xF7A;
	s5 =	simm.s32 @!p2 $0x0  }
0x1d: {  	s5 =	simm.s32 @p1 $0x1;
	p0 =	seq.s32 s7, s2  }
0x1e: {  	s7 =	smul.u32 @!p0 $0xF7A, s2;
	p2 =	seq.s32 @!p0 s5, $0x0  }
0x1f: {  	s9 =	smul.u32 $0xF7A, s1;
	s8 =	simm.s32 @!p0 $0x1BF5;
	p2 =	por !p2, p0  }
0x20: {  	[sflag:s8] =	ssyncset.s32 @!p0 $0xFFFFF086;
	s6 =	sadd.s32 @!p0 s3, s7;
	s7 =	simm.s32 @!p0 $0x108  }
0x21: {  	s3 =	sadd.s32 s3, s9;
	s6 =	sadd.s32 @!p0 $0x88, s6;
	s7 =	simm.s32 @p2 $0x1082  }
0x22: {  	[simem:s7], [sflag:s8] =	dma.local @!p0 [hbm:s6], $0xF7A  }
0x23: {  	s9 =	sor.u32 $0xD0000000, s2;
	s6 =	simm.s32 $0x108;
	_ =	swait.ge @!p0 [sflag:s8], $0x0  }
0x24: {  	s3 =	sadd.s32 $0x88, s3;
	s6 =	simm.s32 @!p1 $0x1082;
	[sflag:s4] =	ssyncset.s32 $0xFFFFF086  }
0x25: {  	[simem:s6], [sflag:s4] =	dma.local [hbm:s3], $0xF7A  }
0x26: {  	[smem:$0x3F9C] =	sst s1;
	(tag) =	ssettag s2;
	_ =	strace s9  }
0x27: {  	s1 =	sld [smem:$0x3FAC]  }
0x28: {  	s2 =	sld [smem:$0x3FAD]  }
0x29: {  	s4 =	sld [smem:$0x3FAF]  }
0x2a: {  	p0 =	seq.s32 s5, $0x0;
	s5 =	sld [smem:$0x3FB0]  }
0x2b: {  	s6 =	sld [smem:$0x3FB1]  }
0x2c: {  	s7 =	sld [smem:$0x3FB2]  }
0x2d: {  	s3 =	simm.s32 $0x108;
	s8 =	sld [smem:$0x3FB3]  }
0x2e: {  	s3 =	simm.s32 @!p0 $0x1082;
	s9 =	sld [smem:$0x3FB4]  }
0x2f: {  	lr =	sadd.s32 s0, s3;
	s0 =	sld [smem:$0x3FAB]  }
0x30: {  	s3 =	sld [smem:$0x3FAE]  }
0x31: {  	[smem:$0x3FB7] =	sst s10  }
0x32: {  	s10 =	sld [smem:$0x3FB5];
	_ =	sdelay $0x3  }
0x33: {  	p0 =	seq.s32 s10, $0x1;
	s10 =	sld [smem:$0x3FB7];
	_ =	sdelay $0x3  }
0x34: {  	[smem:$0x3FB7] =	sst s10  }
0x35: {  	s10 =	sld [smem:$0x3FB6];
	_ =	sdelay $0x3  }
0x36: {  	p1 =	seq.s32 s10, $0x1;
	s10 =	sld [smem:$0x3FB7];
	_ =	sdelay $0x3  }
0x37: {  	[smem:$0x3FB7] =	sst s10  }
0x38: {  	s10 =	sld [smem:$0x3FB8]  }
0x39: {  	_ = 	snop;
	(pc) =	sbr.ind lr, $3  }
0x3a: {  	_ = 	snop  }
0x3b: {  	_ = 	snop  }
0x3c: {  	p2 =	seq.s32 s10, $0x1;
	s10 =	sld [smem:$0x3FB7]  }
0x3d: {  	_ =	shalt  }
0x3e: {  	_ =	shalt  }
0x3f: {  	_ =	shalt  }
0x40: {  	_ =	shalt  }
0x41: {  	_ =	shalt  }
0x42: {  	_ =	shalt  }
0x43: {  	_ =	shalt  }
0x44: {  	_ =	shalt  }
0x45: {  	_ =	shalt  }
0x46: {  	_ =	shalt  }
0x47: {  	_ =	shalt  }
0x48: {  	_ =	shalt  }
0x49: {  	_ =	shalt  }
0x4a: {  	_ =	shalt  }
0x4b: {  	_ =	shalt  }
0x4c: {  	_ =	shalt  }
0x4d: {  	_ =	shalt  }
0x4e: {  	_ =	shalt  }
0x4f: {  	_ =	shalt  }
0x50: {  	_ =	shalt  }
0x51: {  	_ =	shalt  }
0x52: {  	_ =	shalt  }
0x53: {  	_ =	shalt  }
0x54: {  	_ =	shalt  }
0x55: {  	_ =	shalt  }
0x56: {  	_ =	shalt  }
0x57: {  	_ =	shalt  }
0x58: {  	_ =	shalt  }
0x59: {  	_ =	shalt  }
0x5a: {  	_ =	shalt  }
0x5b: {  	_ =	shalt  }
0x5c: {  	_ =	shalt  }
0x5d: {  	_ =	shalt  }
0x5e: {  	_ =	shalt  }
0x5f: {  	_ =	shalt  }
0x60: {  	_ =	shalt  }
0x61: {  	_ =	shalt  }
0x62: {  	_ =	shalt  }
0x63: {  	_ =	shalt  }
0x64: {  	_ =	shalt  }
0x65: {  	_ =	shalt  }
0x66: {  	_ =	shalt  }
0x67: {  	_ =	shalt  }
0x68: {  	_ =	shalt  }
0x69: {  	_ =	shalt  }
0x6a: {  	_ =	shalt  }
0x6b: {  	_ =	shalt  }
0x6c: {  	_ =	shalt  }
0x6d: {  	_ =	shalt  }
0x6e: {  	_ =	shalt  }
0x6f: {  	_ =	shalt  }
0x70: {  	_ =	shalt  }
0x71: {  	_ =	shalt  }
0x72: {  	_ =	shalt  }
0x73: {  	_ =	shalt  }
0x74: {  	_ =	shalt  }
0x75: {  	_ =	shalt  }
0x76: {  	_ =	shalt  }
0x77: {  	_ =	shalt  }
0x78: {  	_ =	shalt  }
0x79: {  	_ =	shalt  }
0x7a: {  	_ =	shalt  }
0x7b: {  	_ =	shalt  }
0x7c: {  	_ =	shalt  }
0x7d: {  	_ =	shalt  }
0x7e: {  	_ =	shalt  }
0x7f: {  	_ =	shalt  }
0x80: {  	_ =	shalt  }
0x81: {  	_ =	shalt  }
0x82: {  	_ =	shalt  }
0x83: {  	_ =	shalt  }
0x84: {  	_ =	shalt  }
0x85: {  	_ =	shalt  }
0x86: {  	_ =	shalt  }
0x87: {  	_ =	shalt  }
.Lfunc_end0:
.L_simem_size_0:
called_computation_lowered:
.L_overlay_start_0:
0x88: {  	s2 =	sld [smem:$0x3FD9]  }
0x89: {  	s3 =	sld [smem:$0x3FFE];
	_ =	sdelay $0x1  }
0x8a: {  	s1 =	srdreg.scid  }
0x8b: {  	s0 =	sand.u32 $0x1, s1  }
0x8c: {  	s17 =	sshll.u32 s0, $0xA;
	s2 =	sadd.s32 s3, s2  }
0x8d: {  	s2 =	sadd.s32 s2, s17  }
0x8e: {  	[smem:$0x3FC3] =	sst s2  }
0x8f: {  	_ = 	snop  }
0x90: {  	s18 =	sld [smem:$0x3FC8];
	(tm) =	ssettm $0x1  }
0x91: {  	s19 =	sld [smem:$0x3FFB];
	_ =	sdelay $0x3  }
0x92: {  	_ =	strace s19  }
0x93: {  	s2 =	sld [smem:$0x3FFC];
	_ =	sdelay $0x3  }
0x94: {  	_ =	strace s2  }
0x95: {  	s2 =	sld [smem:$0x3FFD];
	_ =	sdelay $0x3  }
0x96: {  	_ =	strace s2  }
0x97: {  	_ =	strace $0x8FFFFFFF  }
0x98: {  	s20 =	sld [smem:$0x3FDB];
	_ =	sdelay $0x1  }
0x99: {  	s4 =	simm.s32 $_scs_section_size  }
0x9a: {  	s5 =	simm.s32 $_size__tile_overlayer_lowered;
	s6 =	simm.s32 $_tile_overlayer_lowered  }
0x9b: {  	s7 =	simm.s32 $0x1BFF;
	s21 =	sshll.u32 s6, $0x1;
	s4 =	sadd.s32 s4, s20  }
0x9c: {  	s22 =	simm.s32 $0x0;
	s5 =	sshll.u32 s5, $0x1;
	s6 =	sadd.s32 s21, s4  }
0x9d: {  	[timem:s22], [sflag:s7] =	dma.local [hbm:s6], s5  }
0x9e: {  	_ =	swait.ge [sflag:s7], s5  }
0x9f: {  	s5 =	ssub.s32 $0x0, s5;
	[sflag:s7] =	ssyncset.done $0x0  }
0xa0: {  	[sflag:s7] =	ssyncadd.s32 s5;
	_ =	sdelay $0x1  }
0xa1: {  	s23 =	simm.s32 $0x1B8B  }
0xa2: {  	_ =	swait.ge [sflag:s23], $0x1  }
0xa3: {  	[sflag:s23] =	ssyncset.done $0x0  }
0xa4: {  	[sflag:s23] =	ssyncadd.s32 $0xFFFFFFFF  }
0xa5: {  	s5 =	sld [smem:$0x0]  }
0xa6: {  	s6 =	sand.u32 $0xFFFFFFFE, s1  }
0xa7: {  	p0 =	sne.s32 s1, s6  }
0xa8: {  	s6 =	sshll.u32 @p0 s6, $0xE  }
0xa9: {  	s6 =	sadd.s32 @p0 $0x11B8D, s6;
	s7 =	sshll.u32 @p0 s5, $0x11  }
0xaa: {  	s6 =	sor.u32 @p0 s7, s6  }
0xab: {  	[sflag:s6] =	ssyncadd.remote.s32 @p0 $0x1;
	_ =	sdelay $0x1  }
0xac: {  	s6 =	simm.s32 @p0 $0x1B8D  }
0xad: {  	_ =	swait.eq @p0 [sflag:s6], $0x1  }
0xae: {  	[sflag:s6] =	ssyncadd.s32 @p0 $0xFFFFFFFF  }
0xaf: {  	s7 =	sshll.u32 @!p0 s1, $0xE  }
0xb0: {  	s7 =	sor.u32 @!p0 $0x4000, s7;
	s6 =	simm.s32 @!p0 $0x1B8D  }
0xb1: {  	s5 =	sshll.u32 @!p0 s5, $0x11;
	s7 =	sadd.s32 @!p0 $0x11B8D, s7;
	_ =	swait.eq @!p0 [sflag:s6], $0x1  }
0xb2: {  	s5 =	sor.u32 @!p0 s5, s7;
	[sflag:s6] =	ssyncadd.s32 @!p0 $0xFFFFFFFF  }
0xb3: {  	s25 =	simm.s32 $0x1B8E;
	s24 =	sld [smem:$0x3FFE];
	[sflag:s5] =	ssyncadd.remote.s32 @!p0 $0x1  }
0xb4: {  	s26 =	simm.s32 $execute0_lowered;
	[smem:$0x3FD2] =	sst s25  }
0xb5: {  	s6 =	sshll.u32 s26, $0x1;
	_ =	strace $0x80000049;
	[dreg:$0x1] =	wrdreg $0xFFFFFFFF  }
0xb6: {  	s28 =	simm.s32 $_size_execute0_lowered;
	s4 =	sadd.s32 s4, s6;
	[dreg:$0x0] =	wrdreg $0x0  }
0xb7: {  	s6 =	sshll.u32 s28, $0x1;
	[dreg:$0x2] =	wrdreg s4  }
0xb8: {  	[dreg:$0x3] =	wrdreg s6  }
0xb9: {  	[dreg:$0x4] =	wrdreg $0xC0  }
0xba: {  	_ =	task [dreg:s22], $0x5FFFF  }
0xbb: {  	[dreg:$0x1] =	wrdreg $0xFFFFFFFF  }
0xbc: {  	[dreg:$0x0] =	wrdreg $0x60  }
0xbd: {  	[dreg:$0x2] =	wrdreg s24  }
0xbe: {  	[dreg:$0x3] =	wrdreg s18  }
0xbf: {  	[dreg:$0x4] =	wrdreg $0x9  }
0xc0: {  	_ =	task.clear_ibuf [dreg:s22], $0x5FFFF;
	_ =	strace $0x90000049  }
0xc1: {  	s29 =	simm.s32 $0x9;
	_ =	strace $0x8000004B  }
0xc2: {  	_ =	swait.ge [sflag:s29], $0x1  }
0xc3: {  	[sflag:s29] =	ssyncadd.s32 $0xFFFFFFFF  }
0xc4: {  	_ =	strace $0x9000004B  }
0xc5: {  	_ =	sfence  }
0xc6: {  	s30 =	sld [smem:$0x0];
	_ =	sdelay $0x2  }
0xc7: {  	s31 =	sshll.u32 s1, $0xD;
	s1 =	sshrl.u32 s1, $0x2  }
0xc8: {  	s4 =	sand.u32 $0x4000, s31;
	s1 =	sadd.s32 s1, s30  }
0xc9: {  	s0 =	sor.u32 s4, s0;
	s1 =	sshll.u32 s1, $0x11  }
0xca: {  	s0 =	sor.u32 s1, s0  }
0xcb: {  	s0 =	sadd.s32 $0x8F2B, s0  }
0xcc: {  	[sflag:s0] =	ssyncadd.remote.s32 $0x1  }
0xcd: {  	_ =	sfence.sel $0xFFFF  }
0xce: {  	[dreg:$0x0] =	wrdreg $0xFFFFFFFF;
	(pc) =	sbr.abs _section_cstart, $3  }
0xcf: {  	[dreg:$0x1] =	wrdreg $0xFFFFFFFF  }
0xd0: {  	_ =	task.clear_ibuf [dreg:s22], $0x2FFFF;
	_ =	strace $0x9FFFFFFF  }
0xd1: {  	(tm) =	ssettm $0x7FFFFFFF  }
tec
execute0_lowered:
.L_overlay_start_1:
0x0: {  	(tag) =	ssettag $0x1  }
0x1: {  	s1 =	srdreg.scid  }
0x2: {  	s0 =	stileid.u32;
	s6 =	rddreg [dreg:$0x0];
	s5 =	sand.u32 $0x1, s1  }
0x3: {  	s7 =	rddreg [dreg:$0x1];
	s1 =	sor.u32 s5, s0  }
0x4: {  	s2 =	simm.s32 $0x0;
	p1 =	seq.s32 s5, $0x1;
	p0 =	seq.s32 s1, $0x0  }
0x5: {  	s12 =	simm.s32 $0x400;
	s13 =	simm.s32 $0x0;
	p0 =	por !p0, !p1  }
0x6: {  	[smem:$0x7FF] =	sst s2;
	s1 =	simm.s32 $0x1;
	p0 =	por !p0, !p0  }
0x7: {  	s4 =	sshll.u32 s5, $0x10;
	s10 =	ssub.s32 $0x2, s5;
	s1 =	simm.s32 @!p0 $0x0  }
0x8: {  	s5 =	sshll.u32 s5, $0xA;
	s31 =	sshrl.u32 s10, $0x1;
	s8 =	ssub.s32 s0, s1  }
0x9: {  	s5 =	sadd.s32 s7, s5;
	s1 =	rddreg [dreg:$0x2];
	s3 =	sshll.u32 s8, $0xE  }
0xa: {  	_ =	strace $0x8000004A;
	s9 =	sshll.u32 s8, $0x7;
	s3 =	sand.u32 $0xFFFE0000, s3  }
0xb: {  	s11 =	smul.u32 $0x186BA, s8;
	s29 =	sand.u32 $0x380, s9;
	s3 =	sor.u32 s4, s3  }
0xc: {  	s8 =	simm.s32 $0x2;
	s9 =	ssub.s32 s10, s31;
	s4 =	sor.u32 s29, s3  }
0xd: {  	s10 =	simm.s32 $0x4000;
	s7 =	smax.u32 s9, $0x1;
	s30 =	sshrl.u32 s4, $0x3  }
0xe: {  	s9 =	simm.s32 $0x2000;
	s3 =	sadd.s32 $0xC0E00, s6;
	s6 =	sadd.s32 s30, s6  }
0xf: {  	v0 =	vmov s11;
	s11 =	simm.s32 $0x80;
	s4 =	simm.s32 $0x1;
	s6 =	sadd.s32 $0x227A00, s6  }
.LBB2_1:
0x10: {  	[tilespmem:s2], [sflag:$0x2] =	stream.linear.gather [hbm4b:s5+s2], $0x2000, $0x38;
	[tilespmem:$0x6000] =	vst v63  }
0x11: {  	_ =	swait.ge [sflag:s8], $0x2000  }
0x12: {  	[sflag:s8] =	ssyncset.done $0x0  }
0x13: {  	s14 =	simm.s32 $0x0;
	[sflag:s8] =	ssyncadd.s32 $0xFFFFE000  }
0x14: {  	s15 =	simm.s32 $0x40;
	v1 =	vld [tilespmem:s14+$0x0]  }
.LBB2_2:
0x15: {  	p0 =	sne.s32 s15, $0x7FC0  }
.Ltmp0:
0x16: {  	_ = 	snop;
	(pc) =	sbr.rel @p0 .LBB2_2-.Ltmp0, $3  }
0x17: {  	_ =	sdelay $0x1  }
0x18: {  	s16 =	sshra.s32 s15, $0x2;
	s15 =	sadd.s32 $0x40, s15;
	v2 =	vadd.s32 v0, v1  }
0x19: {  	v1 =	vld [tilespmem:s16+$0x0];
	[tilespmem:s14+$0x2000] =	vst v2;
	s14 =	smov.u32 s16  }
0x1a: {  	_ =	sdelay $0x3  }
0x1b: {  	v1 =	vadd.s32 v0, v1  }
0x1c: {  	[tilespmem:s14+$0x2000] =	vst v1  }
0x1d: {  	[tilespmem:s10], [sflag:$0x1] =	stream.indirect.gather [hbm4b:s3+s9], $0x1, s9, s9, $0xb8;
	[tilespmem:$0x6000] =	vst v63  }
0x1e: {  	s13 =	sadd.s32 $0x1, s13;
	_ =	swait.ge [sflag:s4], $0x2000  }
0x1f: {  	p0 =	sne.s32 s13, s7;
	[sflag:s4] =	ssyncset.done $0x0  }
.Ltmp1:
0x20: {  	[sflag:s4] =	ssyncadd.s32 $0xFFFFE000;
	(pc) =	sbr.rel @p0 .LBB2_1-.Ltmp1, $4  }
0x21: {  	[hbm4b:s6+s11] =	stream.strided.scatter [tilespmem:s10], [sflag:$0x2], $0x2000, s12, s11, $0x38;
	[tilespmem:$0x6000] =	vst v63  }
0x22: {  	_ =	swait.ge [sflag:s8], $0x2000  }
0x23: {  	[sflag:s8] =	ssyncset.done $0x0  }
0x24: {  	[sflag:s8] =	ssyncadd.s32 $0xFFFFE000  }
0x25: {  	_ =	sfence.sel $0x180000  }
0x26: {  	[bflag:$0x0] =	sbarrier.arrive $0xFFFF  }
0x27: {  	p0 =	sne.s32 s0, $0x0;
	_ =	strace $0x9000004A  }
0x28: {  	s0 =	sadd.s32 @!p0 $0x100000, s1;
	[bflag:$0x2] =	sbarrier.arrive $0xFFFF  }
0x29: {  	[sflag:s0] =	ssyncadd.tile.s32 @!p0 $0x1;
	_ =	shalt  }
.Lfunc_end2:
_tile_overlayer_lowered:
.L_overlay_start_2:
0x2a: {  	(tag) =	ssettag $0x2  }
0x2b: {  	s0 =	rddreg [dreg:$0x0];
	s2 =	stileid.u32  }
0x2c: {  	s1 =	rddreg [dreg:$0x1];
	p0 =	sne.s32 s2, $0x0  }
0x2d: {  	s3 =	rddreg [dreg:$0x2];
	[bflag:$0x3] =	sbarrier.arrive $0xFFFF;
	s2 =	simm.s32 @!p0 $0x1C02  }
0x2e: {  	[timem:s3], [sflag:s2] =	dma.local @!p0 [hbm:s0], s1  }
0x2f: {  	s0 =	simm.s32 @!p0 $0x2  }
0x30: {  	_ =	swait.ge @!p0 [sflag:s0], s1  }
0x31: {  	s1 =	ssub.s32 @!p0 $0x0, s1;
	[sflag:s0] =	ssyncset.done @!p0 $0x0  }
0x32: {  	[sflag:s0] =	ssyncadd.s32 @!p0 s1  }
0x33: {  	[bflag:$0x3] =	sbarrier.arrive $0xFFFF  }
0x34: {  	_ =	shalt  }

// kernel: kernel.8.cloned.1.call-start
scs
__scs_entry_jumppad:
0x0: {  	(pc) =	sbr.rel $0x88, $3  }
0x1: {  	(tag) =	ssettag $0x0;
	lr =	simm.s32 $0x1  }
0x2: {  	[smem:$0x3F9C] =	sst lr;
	_ =	strace $0xD0000000  }
0x3: {  	_ = 	snop  }
0x4: {  	_ = 	snop  }
0x5: {  	_ = 	snop  }
0x6: {  	_ = 	snop  }
0x7: {  	_ = 	snop  }
__scs_overlays_trampoline_lowered:
0x8: {  	[smem:$0x3FAB] =	sst s0  }
0x9: {  	[smem:$0x3FAC] =	sst s1  }
0xa: {  	[smem:$0x3FAD] =	sst s2  }
0xb: {  	[smem:$0x3FAE] =	sst s3  }
0xc: {  	[smem:$0x3FAF] =	sst s4  }
0xd: {  	[smem:$0x3FB0] =	sst s5  }
0xe: {  	[smem:$0x3FB1] =	sst s6  }
0xf: {  	[smem:$0x3FB2] =	sst s7  }
0x10: {  	[smem:$0x3FB3] =	sst s8  }
0x11: {  	[smem:$0x3FB4] =	sst s9;
	s0 =	simm.s32 @!p0 $0x0  }
0x12: {  	s1 =	sld [smem:$0x3F9A];
	s0 =	simm.s32 @p0 $0x1  }
0x13: {  	[smem:$0x3FB5] =	sst s0;
	s0 =	simm.s32 @!p1 $0x0  }
0x14: {  	s2 =	sld [smem:$0x3F99];
	s0 =	simm.s32 @p1 $0x1  }
0x15: {  	[smem:$0x3FB6] =	sst s0;
	s0 =	simm.s32 @!p2 $0x0  }
0x16: {  	s3 =	sld [smem:$0x3FDB];
	s0 =	simm.s32 @p2 $0x1  }
0x17: {  	s4 =	simm.s32 $0x1BF5;
	[smem:$0x3FB8] =	sst s0  }
0x18: {  	s0 =	sld [smem:$0x3F9B];
	_ =	swait.ge [sflag:s4], $0x0  }
0x19: {  	s7 =	sld [smem:$0x3F9C]  }
0x1a: {  	s8 =	sadd.s32 $0xFFFFE003, lr  }
0x1b: {  	s9 =	sadd.s32 $0xFFFFFEF7, lr;
	s5 =	simm.s32 $0xFFFFFFFF;
	p2 =	slt.u32 s8, $0xFFFFF086  }
0x1c: {  	p1 =	slt.u32 s9, $0xF7A;
	s5 =	simm.s32 @!p2 $0x0  }
0x1d: {  	s5 =	simm.s32 @p1 $0x1;
	p0 =	seq.s32 s7, s2  }
0x1e: {  	s7 =	smul.u32 @!p0 $0xF7A, s2;
	p2 =	seq.s32 @!p0 s5, $0x0  }
0x1f: {  	s9 =	smul.u32 $0xF7A, s1;
	s8 =	simm.s32 @!p0 $0x1BF5;
	p2 =	por !p2, p0  }
0x20: {  	[sflag:s8] =	ssyncset.s32 @!p0 $0xFFFFF086;
	s6 =	sadd.s32 @!p0 s3, s7;
	s7 =	simm.s32 @!p0 $0x108  }
0x21: {  	s3 =	sadd.s32 s3, s9;
	s6 =	sadd.s32 @!p0 $0x88, s6;
	s7 =	simm.s32 @p2 $0x1082  }
0x22: {  	[simem:s7], [sflag:s8] =	dma.local @!p0 [hbm:s6], $0xF7A  }
0x23: {  	s9 =	sor.u32 $0xD0000000, s2;
	s6 =	simm.s32 $0x108;
	_ =	swait.ge @!p0 [sflag:s8], $0x0  }
0x24: {  	s3 =	sadd.s32 $0x88, s3;
	s6 =	simm.s32 @!p1 $0x1082;
	[sflag:s4] =	ssyncset.s32 $0xFFFFF086  }
0x25: {  	[simem:s6], [sflag:s4] =	dma.local [hbm:s3], $0xF7A  }
0x26: {  	[smem:$0x3F9C] =	sst s1;
	(tag) =	ssettag s2;
	_ =	strace s9  }
0x27: {  	s1 =	sld [smem:$0x3FAC]  }
0x28: {  	s2 =	sld [smem:$0x3FAD]  }
0x29: {  	s4 =	sld [smem:$0x3FAF]  }
0x2a: {  	p0 =	seq.s32 s5, $0x0;
	s5 =	sld [smem:$0x3FB0]  }
0x2b: {  	s6 =	sld [smem:$0x3FB1]  }
0x2c: {  	s7 =	sld [smem:$0x3FB2]  }
0x2d: {  	s3 =	simm.s32 $0x108;
	s8 =	sld [smem:$0x3FB3]  }
0x2e: {  	s3 =	simm.s32 @!p0 $0x1082;
	s9 =	sld [smem:$0x3FB4]  }
0x2f: {  	lr =	sadd.s32 s0, s3;
	s0 =	sld [smem:$0x3FAB]  }
0x30: {  	s3 =	sld [smem:$0x3FAE]  }
0x31: {  	[smem:$0x3FB7] =	sst s10  }
0x32: {  	s10 =	sld [smem:$0x3FB5];
	_ =	sdelay $0x3  }
0x33: {  	p0 =	seq.s32 s10, $0x1;
	s10 =	sld [smem:$0x3FB7];
	_ =	sdelay $0x3  }
0x34: {  	[smem:$0x3FB7] =	sst s10  }
0x35: {  	s10 =	sld [smem:$0x3FB6];
	_ =	sdelay $0x3  }
0x36: {  	p1 =	seq.s32 s10, $0x1;
	s10 =	sld [smem:$0x3FB7];
	_ =	sdelay $0x3  }
0x37: {  	[smem:$0x3FB7] =	sst s10  }
0x38: {  	s10 =	sld [smem:$0x3FB8]  }
0x39: {  	_ = 	snop;
	(pc) =	sbr.ind lr, $3  }
0x3a: {  	_ = 	snop  }
0x3b: {  	_ = 	snop  }
0x3c: {  	p2 =	seq.s32 s10, $0x1;
	s10 =	sld [smem:$0x3FB7]  }
0x3d: {  	_ =	shalt  }
0x3e: {  	_ =	shalt  }
0x3f: {  	_ =	shalt  }
0x40: {  	_ =	shalt  }
0x41: {  	_ =	shalt  }
0x42: {  	_ =	shalt  }
0x43: {  	_ =	shalt  }
0x44: {  	_ =	shalt  }
0x45: {  	_ =	shalt  }
0x46: {  	_ =	shalt  }
0x47: {  	_ =	shalt  }
0x48: {  	_ =	shalt  }
0x49: {  	_ =	shalt  }
0x4a: {  	_ =	shalt  }
0x4b: {  	_ =	shalt  }
0x4c: {  	_ =	shalt  }
0x4d: {  	_ =	shalt  }
0x4e: {  	_ =	shalt  }
0x4f: {  	_ =	shalt  }
0x50: {  	_ =	shalt  }
0x51: {  	_ =	shalt  }
0x52: {  	_ =	shalt  }
0x53: {  	_ =	shalt  }
0x54: {  	_ =	shalt  }
0x55: {  	_ =	shalt  }
0x56: {  	_ =	shalt  }
0x57: {  	_ =	shalt  }
0x58: {  	_ =	shalt  }
0x59: {  	_ =	shalt  }
0x5a: {  	_ =	shalt  }
0x5b: {  	_ =	shalt  }
0x5c: {  	_ =	shalt  }
0x5d: {  	_ =	shalt  }
0x5e: {  	_ =	shalt  }
0x5f: {  	_ =	shalt  }
0x60: {  	_ =	shalt  }
0x61: {  	_ =	shalt  }
0x62: {  	_ =	shalt  }
0x63: {  	_ =	shalt  }
0x64: {  	_ =	shalt  }
0x65: {  	_ =	shalt  }
0x66: {  	_ =	shalt  }
0x67: {  	_ =	shalt  }
0x68: {  	_ =	shalt  }
0x69: {  	_ =	shalt  }
0x6a: {  	_ =	shalt  }
0x6b: {  	_ =	shalt  }
0x6c: {  	_ =	shalt  }
0x6d: {  	_ =	shalt  }
0x6e: {  	_ =	shalt  }
0x6f: {  	_ =	shalt  }
0x70: {  	_ =	shalt  }
0x71: {  	_ =	shalt  }
0x72: {  	_ =	shalt  }
0x73: {  	_ =	shalt  }
0x74: {  	_ =	shalt  }
0x75: {  	_ =	shalt  }
0x76: {  	_ =	shalt  }
0x77: {  	_ =	shalt  }
0x78: {  	_ =	shalt  }
0x79: {  	_ =	shalt  }
0x7a: {  	_ =	shalt  }
0x7b: {  	_ =	shalt  }
0x7c: {  	_ =	shalt  }
0x7d: {  	_ =	shalt  }
0x7e: {  	_ =	shalt  }
0x7f: {  	_ =	shalt  }
0x80: {  	_ =	shalt  }
0x81: {  	_ =	shalt  }
0x82: {  	_ =	shalt  }
0x83: {  	_ =	shalt  }
0x84: {  	_ =	shalt  }
0x85: {  	_ =	shalt  }
0x86: {  	_ =	shalt  }
0x87: {  	_ =	shalt  }
.Lfunc_end0:
.L_simem_size_0:
called_computation.1_lowered:
.L_overlay_start_0:
0x88: {  	s2 =	sld [smem:$0x3FD9]  }
0x89: {  	s3 =	sld [smem:$0x3FFE];
	_ =	sdelay $0x1  }
0x8a: {  	s1 =	srdreg.scid  }
0x8b: {  	s0 =	sand.u32 $0x1, s1  }
0x8c: {  	s17 =	sshll.u32 s0, $0xA;
	s2 =	sadd.s32 s3, s2  }
0x8d: {  	s2 =	sadd.s32 s2, s17  }
0x8e: {  	[smem:$0x3FC3] =	sst s2  }
0x8f: {  	_ = 	snop  }
0x90: {  	s2 =	sld [smem:$0x3FC9];
	(tm) =	ssettm $0x1  }
0x91: {  	s18 =	sld [smem:$0x3FFB];
	_ =	sdelay $0x3  }
0x92: {  	_ =	strace s18  }
0x93: {  	s3 =	sld [smem:$0x3FFC];
	_ =	sdelay $0x3  }
0x94: {  	_ =	strace s3  }
0x95: {  	s3 =	sld [smem:$0x3FFD];
	_ =	sdelay $0x3  }
0x96: {  	_ =	strace s3  }
0x97: {  	_ =	strace $0x8FFFFFFF  }
0x98: {  	s19 =	sld [smem:$0x3FDB];
	_ =	sdelay $0x1  }
0x99: {  	s4 =	simm.s32 $_scs_section_size  }
0x9a: {  	s5 =	simm.s32 $_size__tile_overlayer_lowered;
	s6 =	simm.s32 $_tile_overlayer_lowered  }
0x9b: {  	s22 =	simm.s32 $0x1BFF;
	s21 =	sshll.u32 s6, $0x1;
	s3 =	sadd.s32 s4, s19  }
0x9c: {  	s7 =	simm.s32 $0x0;
	s20 =	sshll.u32 s5, $0x1;
	s5 =	sadd.s32 s21, s3  }
0x9d: {  	[timem:s7], [sflag:s22] =	dma.local [hbm:s5], s20  }
0x9e: {  	_ =	swait.ge [sflag:s22], s20  }
0x9f: {  	s4 =	ssub.s32 $0x0, s20;
	[sflag:s22] =	ssyncset.done $0x0  }
0xa0: {  	[sflag:s22] =	ssyncadd.s32 s4;
	_ =	sdelay $0x1  }
0xa1: {  	s23 =	simm.s32 $0x1B8B  }
0xa2: {  	_ =	swait.ge [sflag:s23], $0x1  }
0xa3: {  	[sflag:s23] =	ssyncset.done $0x0  }
0xa4: {  	s25 =	simm.s32 $0x1B8E;
	s24 =	sld [smem:$0x3FFE];
	[sflag:s23] =	ssyncadd.s32 $0xFFFFFFFF  }
0xa5: {  	s26 =	simm.s32 $execute0_lowered;
	[smem:$0x3FD2] =	sst s25  }
0xa6: {  	s5 =	sshll.u32 s26, $0x1;
	_ =	strace $0x80000046;
	[dreg:$0x1] =	wrdreg $0xFFFFFFFF  }
0xa7: {  	s28 =	simm.s32 $_size_execute0_lowered;
	s3 =	sadd.s32 s3, s5;
	[dreg:$0x0] =	wrdreg $0x0  }
0xa8: {  	s5 =	sshll.u32 s28, $0x1;
	[dreg:$0x2] =	wrdreg s3  }
0xa9: {  	[dreg:$0x3] =	wrdreg s5  }
0xaa: {  	[dreg:$0x4] =	wrdreg $0xC0  }
0xab: {  	_ =	task [dreg:s7], $0x5FFFF  }
0xac: {  	[dreg:$0x1] =	wrdreg $0xFFFFFFFF  }
0xad: {  	[dreg:$0x0] =	wrdreg $0x60  }
0xae: {  	[dreg:$0x2] =	wrdreg s24  }
0xaf: {  	[dreg:$0x3] =	wrdreg s2  }
0xb0: {  	[dreg:$0x4] =	wrdreg $0xA  }
0xb1: {  	_ =	task.clear_ibuf [dreg:s7], $0x5FFFF;
	_ =	strace $0x90000046  }
0xb2: {  	s29 =	simm.s32 $0xA;
	_ =	strace $0x80000048  }
0xb3: {  	_ =	swait.ge [sflag:s29], $0x1  }
0xb4: {  	[sflag:s29] =	ssyncadd.s32 $0xFFFFFFFF  }
0xb5: {  	_ =	strace $0x90000048  }
0xb6: {  	_ =	sfence  }
0xb7: {  	s30 =	sld [smem:$0x0];
	_ =	sdelay $0x2  }
0xb8: {  	s31 =	sshll.u32 s1, $0xD;
	s1 =	sshrl.u32 s1, $0x2  }
0xb9: {  	s3 =	sand.u32 $0x4000, s31;
	s1 =	sadd.s32 s1, s30  }
0xba: {  	s0 =	sor.u32 s3, s0;
	s1 =	sshll.u32 s1, $0x11  }
0xbb: {  	s0 =	sor.u32 s1, s0  }
0xbc: {  	s0 =	sadd.s32 $0x8F2B, s0  }
0xbd: {  	[sflag:s0] =	ssyncadd.remote.s32 $0x1  }
0xbe: {  	_ =	sfence.sel $0xFFFF  }
0xbf: {  	[dreg:$0x0] =	wrdreg $0xFFFFFFFF;
	(pc) =	sbr.abs _section_cstart, $3  }
0xc0: {  	[dreg:$0x1] =	wrdreg $0xFFFFFFFF  }
0xc1: {  	_ =	task.clear_ibuf [dreg:s7], $0x2FFFF;
	_ =	strace $0x9FFFFFFF  }
0xc2: {  	(tm) =	ssettm $0x7FFFFFFF  }
0xc3: {  	_ =	shalt  }
tec
execute0_lowered:
.L_overlay_start_1:
0x0: {  	(tag) =	ssettag $0x1  }
0x1: {  	s9 =	rddreg [dreg:$0x0]  }
0x2: {  	s10 =	rddreg [dreg:$0x1]  }
0x3: {  	s0 =	rddreg [dreg:$0x2];
	s2 =	simm.s32 $0x0;
	s3 =	srdreg.scid  }
0x4: {  	s1 =	stileid.u32;
	s8 =	simm.s32 $0x1;
	s11 =	sand.u32 $0x1, s3  }
0x5: {  	[smem:$0x7FF] =	sst s2;
	s13 =	sadd.s32 $0xF6000, s9;
	s3 =	sor.u32 s11, s1  }
0x6: {  	s14 =	sadd.s32 $0x1800, s9;
	p1 =	seq.s32 s11, $0x1;
	p0 =	seq.s32 s3, $0x0  }
0x7: {  	s4 =	sadd.s32 $0x3EA00, s9;
	s17 =	sadd.s32 $0x7BC00, s9;
	p0 =	por !p0, !p1  }
0x8: {  	s5 =	sadd.s32 $0x170400, s9;
	s6 =	sadd.s32 $0x1AD600, s9;
	p0 =	por !p0, !p0  }
0x9: {  	s7 =	sadd.s32 $0x1EA800, s9;
	_ =	strace $0x80000047;
	s8 =	simm.s32 @!p0 $0x0  }
0xa: {  	s26 =	sshll.u32 s11, $0x10;
	s19 =	ssub.s32 $0x2, s11;
	s12 =	ssub.s32 s1, s8  }
0xb: {  	s30 =	sshll.u32 s11, $0xA;
	s3 =	sadd.s32 $0x133200, s9;
	s16 =	sand.u32 $0x80, s12  }
0xc: {  	s29 =	sshrl.u32 s19, $0x1;
	s15 =	sshll.u32 s12, $0xE;
	s16 =	sshrl.u32 s16, $0x7  }
0xd: {  	s18 =	sshll.u32 s12, $0x7;
	s15 =	sand.u32 $0xFFFE0000, s15;
	s16 =	sadd.s32 s16, s12  }
0xe: {  	s18 =	sand.u32 $0x380, s18;
	s15 =	sor.u32 s26, s15;
	s28 =	sand.u32 $0xFFFFFFFE, s16  }
0xf: {  	s8 =	simm.s32 $0x1;
	s15 =	sor.u32 s18, s15;
	s18 =	ssub.s32 s12, s28  }
0x10: {  	p5 =	slt.s32 s12, $0x1;
	s31 =	sshra.s32 s16, $0x1;
	p6 =	sne.s32 s18, $0x0  }
0x11: {  	s16 =	simm.s32 $0x400;
	s15 =	sshrl.u32 s15, $0x3;
	p0 =	por !p5, !p6  }
0x12: {  	s12 =	ssub.s32 s19, s29;
	s19 =	simm.s32 $0x1;
	p0 =	por !p0, !p0  }
0x13: {  	s15 =	sadd.s32 s15, s9;
	s18 =	smul.u32 $0xF4240, s18;
	s19 =	simm.s32 @!p0 $0x0  }
0x14: {  	s9 =	sadd.s32 s10, s30;
	s11 =	smax.u32 s12, $0x1;
	s19 =	ssub.s32 s31, s19  }
0x15: {  	s12 =	simm.s32 $0x2;
	s10 =	sadd.s32 $0xB8E00, s15;
	p3 =	seq.s32 s19, $0x0  }
0x16: {  	p0 =	sgt.s32 s19, $0x3;
	p4 =	seq.s32 s19, $0x2;
	p1 =	sgt.s32 s19, $0x1  }
0x17: {  	p6 =	seq.s32 s19, $0x4;
	p2 =	seq.s32 @!p3 s19, $0x1;
	p5 =	seq.s32 @!p4 s19, $0x3  }
0x18: {  	s3 =	smov.u32 @p3 s13;
	s4 =	smov.u32 @p4 s14;
	s13 =	simm.s32 $0x2000  }
0x19: {  	s14 =	simm.s32 $0x4000;
	s5 =	smov.u32 @p6 s17;
	p2 =	por p3, p2  }
.Ltmp0:
0x1a: {  	s17 =	simm.s32 $0x0;
	s15 =	simm.s32 @!p2 $0x0;
	(pc) =	sbr.rel .LBB2_1-.Ltmp0, $4  }
0x1b: {  	p3 =	por p4, p5;
	s15 =	simm.s32 @p2 $0x1;
	p2 =	seq.s32 s19, $0x7  }
0x1c: {  	v0 =	vmov s18;
	p5 =	seq.s32 @!p6 s19, $0x5;
	p4 =	sgt.s32 s19, $0x5;
	s18 =	simm.s32 @!p2 $0x0  }
0x1d: {  	p5 =	por p6, p5;
	[smem:$0x7FC] =	sst s15;
	s18 =	simm.s32 @p2 $0x1  }
0x1e: {  	p6 =	seq.s32 s19, $0x6;
	s15 =	simm.s32 $0x80;
	[smem:$0x7FD] =	sst s18  }
.LBB2_5:
0x1f: {  	s19 =	sld [smem:$0x7FC];
	_ =	sdelay $0x2  }
0x20: {  	p2 =	seq.s32 s19, $0x1  }
.Ltmp1:
0x21: {  	_ = 	snop;
	(pc) =	sbr.rel @!p2 .LBB2_13-.Ltmp1, $2  }
0x22: {  	_ =	sdelay $0x2  }
0x23: {  	s18 =	smov.u32 s3  }
.LBB2_12:
0x24: {  	[tilespmem:s14], [sflag:$0x1] =	stream.indirect.gather [hbm4b:s18+s13], $0x1, s13, s13, $0xb8;
	[tilespmem:$0x6000] =	vst v63  }
0x25: {  	_ =	swait.ge [sflag:s8], $0x2000  }
0x26: {  	[sflag:s8] =	ssyncset.done $0x0  }
0x27: {  	[sflag:s8] =	ssyncadd.s32 $0xFFFFE000  }
.LBB2_13:
0x28: {  	s17 =	sadd.s32 $0x1, s17  }
0x29: {  	p2 =	sne.s32 s17, s11  }
.Ltmp2:
0x2a: {  	_ = 	snop;
	(pc) =	sbr.rel @!p2 .LBB2_14-.Ltmp2, $4  }
0x2b: {  	[hbm4b:s10+s15] =	stream.strided.scatter [tilespmem:s14], [sflag:$0x2], $0x2000, s16, s15, $0x38;
	[tilespmem:$0x6000] =	vst v63  }
0x2c: {  	_ =	swait.ge [sflag:s12], $0x2000  }
0x2d: {  	[sflag:s12] =	ssyncset.done $0x0  }
0x2e: {  	[sflag:s12] =	ssyncadd.s32 $0xFFFFE000  }
.LBB2_1:
0x2f: {  	[tilespmem:s2], [sflag:$0x2] =	stream.linear.gather [hbm4b:s9+s2], $0x2000, $0x38;
	[tilespmem:$0x6000] =	vst v63  }
0x30: {  	_ =	swait.ge [sflag:s12], $0x2000  }
0x31: {  	[sflag:s12] =	ssyncset.done $0x0  }
0x32: {  	s18 =	simm.s32 $0x0;
	[sflag:s12] =	ssyncadd.s32 $0xFFFFE000  }
0x33: {  	s19 =	simm.s32 $0x40;
	v1 =	vld [tilespmem:s18+$0x0]  }
.LBB2_2:
0x34: {  	p2 =	sne.s32 s19, $0x7FC0  }
.Ltmp3:
0x35: {  	_ = 	snop;
	(pc) =	sbr.rel @p2 .LBB2_2-.Ltmp3, $3  }
0x36: {  	_ =	sdelay $0x1  }
0x37: {  	s20 =	sshra.s32 s19, $0x2;
	s19 =	sadd.s32 $0x40, s19;
	v2 =	vadd.s32 v0, v1  }
0x38: {  	v1 =	vld [tilespmem:s20+$0x0];
	[tilespmem:s18+$0x2000] =	vst v2;
	s18 =	smov.u32 s20  }
0x39: {  	_ = 	snop  }
.Ltmp4:
0x3a: {  	_ = 	snop;
	(pc) =	sbr.rel @p0 .LBB2_7-.Ltmp4, $3  }
0x3b: {  	_ =	sdelay $0x1  }
0x3c: {  	v1 =	vadd.s32 v0, v1  }
0x3d: {  	[tilespmem:s18+$0x2000] =	vst v1  }
.Ltmp5:
0x3e: {  	(pc) =	sbr.rel @!p1 .LBB2_5-.Ltmp5, $1  }
0x3f: {  	_ =	sdelay $0x3  }
.Ltmp6:
0x40: {  	(pc) =	sbr.rel @p3 .LBB2_12-.Ltmp6, $4  }
.Ltmp7:
0x41: {  	(pc) =	sbr.rel @!p3 .LBB2_13-.Ltmp7, $4  }
0x42: {  	_ = 	snop  }
0x43: {  	_ = 	snop  }
0x44: {  	s18 =	smov.u32 s4  }
0x45: {  	_ = 	snop  }
.LBB2_7:
.Ltmp8:
0x46: {  	(pc) =	sbr.rel @p4 .LBB2_9-.Ltmp8, $1  }
0x47: {  	_ =	sdelay $0x3  }
.Ltmp9:
0x48: {  	(pc) =	sbr.rel @p5 .LBB2_12-.Ltmp9, $4  }
.Ltmp10:
0x49: {  	(pc) =	sbr.rel @!p5 .LBB2_13-.Ltmp10, $4  }
0x4a: {  	_ = 	snop  }
0x4b: {  	_ = 	snop  }
0x4c: {  	s18 =	smov.u32 s5  }
0x4d: {  	_ = 	snop  }
.LBB2_9:
.Ltmp11:
0x4e: {  	(pc) =	sbr.rel @p6 .LBB2_12-.Ltmp11, $2  }
0x4f: {  	_ =	sdelay $0x2  }
0x50: {  	s18 =	smov.u32 s6  }
0x51: {  	s18 =	sld [smem:$0x7FD];
	_ =	sdelay $0x2  }
0x52: {  	p2 =	seq.s32 s18, $0x1  }
.Ltmp12:
0x53: {  	_ = 	snop;
	(pc) =	sbr.rel @!p2 .LBB2_13-.Ltmp12, $1  }
0x54: {  	_ =	sdelay $0x3  }
.Ltmp13:
0x55: {  	(pc) =	sbr.rel .LBB2_12-.Ltmp13, $2  }
0x56: {  	_ =	sdelay $0x2  }
0x57: {  	s18 =	smov.u32 s7  }
.LBB2_14:
0x58: {  	_ =	sfence.sel $0x180000  }
0x59: {  	[bflag:$0x0] =	sbarrier.arrive $0xFFFF  }
0x5a: {  	p0 =	sne.s32 s1, $0x0;
	_ =	strace $0x90000047  }
0x5b: {  	s0 =	sadd.s32 @!p0 $0x100000, s0;
	[bflag:$0x2] =	sbarrier.arrive $0xFFFF  }
0x5c: {  	[sflag:s0] =	ssyncadd.tile.s32 @!p0 $0x1;
	_ =	shalt  }
.Lfunc_end2:
_tile_overlayer_lowered:
.L_overlay_start_2:
0x5d: {  	(tag) =	ssettag $0x2  }
0x5e: {  	s0 =	rddreg [dreg:$0x0];
	s2 =	stileid.u32  }
0x5f: {  	s1 =	rddreg [dreg:$0x1];
	p0 =	sne.s32 s2, $0x0  }
0x60: {  	s3 =	rddreg [dreg:$0x2];
	[bflag:$0x3] =	sbarrier.arrive $0xFFFF;
	s2 =	simm.s32 @!p0 $0x1C02  }
0x61: {  	[timem:s3], [sflag:s2] =	dma.local @!p0 [hbm:s0], s1  }
0x62: {  	s0 =	simm.s32 @!p0 $0x2  }
0x63: {  	_ =	swait.ge @!p0 [sflag:s0], s1  }
0x64: {  	s1 =	ssub.s32 @!p0 $0x0, s1;
	[sflag:s0] =	ssyncset.done @!p0 $0x0  }
0x65: {  	[sflag:s0] =	ssyncadd.s32 @!p0 s1  }
0x66: {  	[bflag:$0x3] =	sbarrier.arrive $0xFFFF  }
0x67: {  	_ =	shalt  }

</sc_bundles>
